<compile_context>
chip_gen: v7x
topology: tpu7x:2x2x1
jax: 0.10.2.dev20260603
libtpu: 0.0.44.dev20260713+nightly
codegen_flags: <defaults>
</compile_context>

<pallas_src>
import functools

import jax
import jax.numpy as jnp
from jax import lax
from jax.experimental import pallas as pl
from jax.experimental.pallas import tpu as pltpu
from jax.experimental.pallas import tpu_sc as plsc

N = 10000
E = 160000
D_FEAT = 128
CONV_H = 8
N_GRAPHS = 64

NP = 10240
EP = 163840
K = 34
SC = K * CONV_H
BLK_E = 1024
BLK_N = 1024
PAD_DST = 10016


def _make_edge_body(din):
    def _edge_body(ea_ref, xg_ref, w1_ref, b1_ref, wall_ref, r32_ref,
                   bvec_ref, c_ref, msg_ref):
        t = jnp.dot(ea_ref[...], w1_ref[...],
                    preferred_element_type=jnp.float32)
        t = t + b1_ref[...]
        h = jnp.where(t > 0, t, 0.01 * t)
        hexp = jnp.dot(h, r32_ref[...], preferred_element_type=jnp.float32)
        hexp = hexp + bvec_ref[...]
        sg = jnp.dot(xg_ref[:, :din], wall_ref[...],
                     preferred_element_type=jnp.float32)
        msg = jnp.dot(hexp * sg, c_ref[...], preferred_element_type=jnp.float32)
        msg_ref[...] = jnp.pad(msg, ((0, 0), (0, 112)))

    return _edge_body


def _edge_stage(ea, xg, w1, b1, wall, r32, bvec, cmat):
    din = wall.shape[0]
    grid = EP // BLK_E
    return pl.pallas_call(
        _make_edge_body(din),
        grid=(grid,),
        in_specs=[
            pl.BlockSpec((BLK_E, 4), lambda i: (i, 0)),
            pl.BlockSpec((BLK_E, 128), lambda i: (i, 0)),
            pl.BlockSpec((4, 32), lambda i: (0, 0)),
            pl.BlockSpec((1, 32), lambda i: (0, 0)),
            pl.BlockSpec((din, SC), lambda i: (0, 0)),
            pl.BlockSpec((32, SC), lambda i: (0, 0)),
            pl.BlockSpec((1, SC), lambda i: (0, 0)),
            pl.BlockSpec((SC, 16), lambda i: (0, 0)),
        ],
        out_specs=pl.BlockSpec((BLK_E, 128), lambda i: (i, 0)),
        out_shape=jax.ShapeDtypeStruct((EP, 128), jnp.float32),
    )(ea, xg, w1, b1, wall, r32, bvec, cmat)


def _node0_body(p_ref, x_ref, root_ref, bias_ref, h1_ref):
    aggr = p_ref[0, :, :8] + p_ref[1, :, :8]
    r = jnp.dot(x_ref[...], root_ref[...], preferred_element_type=jnp.float32)
    h1 = jnp.maximum(aggr + r + bias_ref[...], 0.0)
    h1_ref[...] = jnp.pad(h1, ((0, 0), (0, 120)))


def _node0_stage(p, x, root, bias):
    grid = NP // BLK_N
    return pl.pallas_call(
        _node0_body,
        grid=(grid,),
        in_specs=[
            pl.BlockSpec((2, BLK_N, 128), lambda i: (0, i, 0)),
            pl.BlockSpec((BLK_N, D_FEAT), lambda i: (i, 0)),
            pl.BlockSpec((D_FEAT, 8), lambda i: (0, 0)),
            pl.BlockSpec((1, 8), lambda i: (0, 0)),
        ],
        out_specs=pl.BlockSpec((BLK_N, 128), lambda i: (i, 0)),
        out_shape=jax.ShapeDtypeStruct((NP, 128), jnp.float32),
    )(p, x, root, bias)


def _node1_body(p_ref, h1_ref, root_ref, bias_ref, batch_ref, pooled_ref):
    i = pl.program_id(0)

    @pl.when(i == 0)
    def _():
        pooled_ref[...] = jnp.zeros_like(pooled_ref)

    aggr = p_ref[0, :, :8] + p_ref[1, :, :8]
    r = jnp.dot(h1_ref[...], root_ref[...], preferred_element_type=jnp.float32)
    h2 = jnp.maximum(aggr + r + bias_ref[...], 0.0)
    g = batch_ref[0, 0, :]
    onehot = (g[None, :] == lax.broadcasted_iota(jnp.int32, (N_GRAPHS, BLK_N), 0)
              ).astype(jnp.float32)
    pooled_ref[...] += jnp.dot(onehot, h2, preferred_element_type=jnp.float32)


def _node1_stage(p, h1, root_pad, bias, batch3d):
    grid = NP // BLK_N
    return pl.pallas_call(
        _node1_body,
        grid=(grid,),
        in_specs=[
            pl.BlockSpec((2, BLK_N, 128), lambda i: (0, i, 0)),
            pl.BlockSpec((BLK_N, 128), lambda i: (i, 0)),
            pl.BlockSpec((128, 8), lambda i: (0, 0)),
            pl.BlockSpec((1, 8), lambda i: (0, 0)),
            pl.BlockSpec((1, 1, BLK_N), lambda i: (i, 0, 0)),
        ],
        out_specs=pl.BlockSpec((N_GRAPHS, 8), lambda i: (0, 0)),
        out_shape=jax.ShapeDtypeStruct((N_GRAPHS, 8), jnp.float32),
    )(p, h1, root_pad, bias, batch3d)


def _head_body(pooled_ref, w0_ref, b0_ref, w1_ref, b1_ref, w2_ref, b2_ref,
               out_ref):
    h = jnp.maximum(jnp.dot(pooled_ref[...], w0_ref[...],
                            preferred_element_type=jnp.float32) + b0_ref[...], 0.0)
    h = jnp.maximum(jnp.dot(h, w1_ref[...],
                            preferred_element_type=jnp.float32) + b1_ref[...], 0.0)
    out_ref[...] = jnp.dot(h, w2_ref[...],
                           preferred_element_type=jnp.float32) + b2_ref[...]


def _head_stage(pooled, w0, b0, w1, b1, w2, b2):
    return pl.pallas_call(
        _head_body,
        out_shape=jax.ShapeDtypeStruct((N_GRAPHS, 12), jnp.float32),
    )(pooled, w0, b0, w1, b1, w2, b2)


def _build_wall(w2, b2, in_ch):
    w2r = jnp.transpose(w2.reshape(32, in_ch, CONV_H), (1, 0, 2))
    wall = jnp.concatenate([
        w2r.reshape(in_ch, 32 * CONV_H),
        b2.reshape(in_ch, CONV_H),
        jnp.zeros((in_ch, CONV_H), jnp.float32),
    ], axis=1)
    return wall


def kernel(x, edge_index, edge_attr, batch, task_id, c0_w1, c0_b1, c0_w2,
           c0_b2, c0_root, c0_bias, c1_w1, c1_b1, c1_w2, c1_b2, c1_root,
           c1_bias, lin0_w, lin0_b, lin1_w, lin1_b, out_w, out_b):
    f32 = jnp.float32
    src = edge_index[0]
    dst = edge_index[1]
    src_p = jnp.pad(src, (0, EP - E))
    dst_p = jnp.pad(dst, (0, EP - E), constant_values=PAD_DST)
    ea_p = jnp.pad(edge_attr, ((0, EP - E), (0, 0)))
    x_p = jnp.pad(x, ((0, NP - N), (0, 0)))
    batch_p = jnp.pad(batch, (0, NP - N), constant_values=127).reshape(
        NP // BLK_N, 1, BLK_N)

    kk = jnp.arange(K * CONV_H, dtype=jnp.int32)
    r32 = (kk[None, :] // CONV_H == jnp.arange(32, dtype=jnp.int32)[:, None]
           ).astype(f32)
    bvec = (kk // CONV_H == 32).astype(f32)[None, :]
    cmat = (kk[:, None] % CONV_H ==
            jnp.arange(16, dtype=jnp.int32)[None, :]).astype(f32)
    cmat = cmat * (jnp.arange(16)[None, :] < 8).astype(f32)

    wall0 = _build_wall(c0_w2, c0_b2, D_FEAT)
    wall1 = jnp.pad(_build_wall(c1_w2, c1_b2, CONV_H), ((0, 8), (0, 0)))
    root1 = jnp.pad(c1_root, ((0, 120), (0, 0)))

    b1_0 = c0_b1.reshape(1, 32)
    b1_1 = c1_b1.reshape(1, 32)
    bias0 = c0_bias.reshape(1, 8)
    bias1 = c1_bias.reshape(1, 8)

    dst2d = dst_p.reshape(EP // CHUNK, CHUNK)

    xg = _sc_gather(x_p, src_p, 128)
    msg0 = _edge_stage(ea_p, xg, c0_w1, b1_0, wall0, r32, bvec, cmat)
    p0 = _sc_scatter(msg0, dst2d)
    h1 = _node0_stage(p0, x_p, c0_root, bias0)

    h1g = _sc_gather(h1, src_p, 128)
    msg1 = _edge_stage(ea_p, h1g, c1_w1, b1_1, wall1, r32, bvec, cmat)
    p1 = _sc_scatter(msg1, dst2d)
    pooled = _node1_stage(p1, h1, root1, bias1, batch_p)

    return _head_stage(pooled, lin0_w, lin0_b.reshape(1, 64), lin1_w,
                       lin1_b.reshape(1, 64), out_w, out_b.reshape(1, 12))


NW = 32
CHUNK = 128
PER_W = EP // NW
N_CHUNKS = PER_W // CHUNK


def _sc_gather(table, idx, out_w):
    d = table.shape[1]
    mesh = plsc.VectorSubcoreMesh(core_axis_name="c", subcore_axis_name="s")

    nbuf = 4

    @functools.partial(
        pl.kernel, mesh=mesh,
        out_type=jax.ShapeDtypeStruct((EP, out_w), jnp.float32),
        scratch_types=[pltpu.VMEM((PER_W,), jnp.int32)]
        + [pltpu.VMEM((CHUNK, d), jnp.float32)] * nbuf
        + [pltpu.SemaphoreType.DMA] * nbuf,
    )
    def k(table_hbm, idx_hbm, out_hbm, idx_v, *bufsem):
        bufs, sems = bufsem[:nbuf], bufsem[nbuf:]
        wid = lax.axis_index("s") * 2 + lax.axis_index("c")
        base = wid * PER_W
        pltpu.sync_copy(idx_hbm.at[pl.ds(base, PER_W)], idx_v)

        def fire(c, j):
            pltpu.make_async_copy(
                table_hbm.at[idx_v.at[pl.ds(c * CHUNK, CHUNK)]], bufs[j],
                sems[j]
            ).start()

        def drain(c, j):
            pltpu.make_async_copy(
                table_hbm.at[idx_v.at[pl.ds(c * CHUNK, CHUNK)]], bufs[j],
                sems[j]
            ).wait()

        def wback(c, j):
            pltpu.sync_copy(bufs[j],
                            out_hbm.at[pl.ds(base + c * CHUNK, CHUNK)])

        for j in range(nbuf - 1):
            fire(j, j)

        def body(i, carry):
            c0 = nbuf * i
            for j in range(nbuf):
                c = c0 + j
                drain(c, j)
                wback(c, j)

                @pl.when(c + nbuf - 1 < N_CHUNKS)
                def _():
                    fire(c + nbuf - 1, (j + nbuf - 1) % nbuf)

            return carry

        lax.fori_loop(0, N_CHUNKS // nbuf, body, 0)

    return k(table, idx)


ROWS_PER_S = NP // 16


def _sc_scatter(msg, dst2d):
    mesh = plsc.VectorSubcoreMesh(core_axis_name="c", subcore_axis_name="s")

    @functools.partial(
        pl.kernel, mesh=mesh,
        out_type=jax.ShapeDtypeStruct((2, NP, 128), jnp.float32),
        scratch_types=[
            pltpu.VMEM((N_CHUNKS, CHUNK), jnp.int32),
            pltpu.VMEM((CHUNK, 128), jnp.float32),
            pltpu.VMEM_SHARED((NP, 128), jnp.float32),
        ],
    )
    def k(msg_hbm, dst_hbm, out_hbm, idx2d, wide, acc):
        c = lax.axis_index("c")
        s = lax.axis_index("s")
        wid = s * 2 + c
        base = wid * PER_W

        pltpu.sync_copy(dst_hbm.at[pl.ds(wid * N_CHUNKS, N_CHUNKS)], idx2d)

        def zvec(i, carry):
            wide[i // 8, pl.ds((i % 8) * 16, 16)] = jnp.zeros((16,),
                                                             jnp.float32)
            return carry

        lax.fori_loop(0, CHUNK * 8, zvec, 0)

        def zcp(j, carry):
            pltpu.sync_copy(wide, acc.at[pl.ds(s * ROWS_PER_S + j * CHUNK,
                                               CHUNK)])
            return carry

        lax.fori_loop(0, ROWS_PER_S // CHUNK, zcp, 0)
        plsc.subcore_barrier()

        def body(ci, carry):
            pltpu.sync_copy(msg_hbm.at[pl.ds(base + ci * CHUNK, CHUNK)], wide)
            pltpu.sync_copy(wide, acc.at[idx2d.at[ci]], add=True)
            return carry

        lax.fori_loop(0, N_CHUNKS, body, 0)
        plsc.subcore_barrier()

        pltpu.sync_copy(acc.at[pl.ds(s * ROWS_PER_S, ROWS_PER_S)],
                        out_hbm.at[c, pl.ds(s * ROWS_PER_S, ROWS_PER_S)])

    return k(msg, dst2d)

# --- scband reference (transcript-rebuilt; emitter-appended) ---
"""Pipeline reference for scband-mpnn-gnn-44109314130472 (READ-ONLY COPY).

The authoritative reference and input builder live on the scoring server;
editing this copy changes nothing except your own understanding.
"""

import jax, jax.numpy as jnp
import numpy as np

N = 10000
E = 160000
D_FEAT = 128
D_EDGE = 4
N_EDGE_NN = 32
CONV_H = 8
LIN_H = 64
N_GRAPHS = 64
N_CLASS0 = 12


def _xavier(key, shape):
    fan_in, fan_out = shape[0], shape[1]
    limit = float(np.sqrt(6.0 / (fan_in + fan_out)))
    return jax.random.uniform(key, shape, jnp.float32, -limit, limit)


def setup_inputs(seed: int = 0) -> dict:
    key = jax.random.key(seed)
    ks = jax.random.split(key, 24)
    inp = {}
    inp["x"] = jax.random.normal(ks[0], (N, D_FEAT), jnp.float32)
    inp["edge_index"] = jax.random.randint(ks[1], (2, E), 0, N, jnp.int32)
    inp["edge_attr"] = jax.random.normal(ks[2], (E, D_EDGE), jnp.float32)
    inp["batch"] = jnp.sort(jax.random.randint(ks[3], (N,), 0, N_GRAPHS, jnp.int32))
    inp["task_id"] = 0
    # conv layer 0: edge-net D_EDGE -> N_EDGE_NN -> D_FEAT*CONV_H, root weight [D_FEAT, CONV_H]
    inp["c0_w1"] = _xavier(ks[4], (D_EDGE, N_EDGE_NN))
    inp["c0_b1"] = jnp.zeros((N_EDGE_NN,), jnp.float32)
    inp["c0_w2"] = _xavier(ks[5], (N_EDGE_NN, D_FEAT * CONV_H))
    inp["c0_b2"] = jnp.zeros((D_FEAT * CONV_H,), jnp.float32)
    inp["c0_root"] = _xavier(ks[6], (D_FEAT, CONV_H))
    inp["c0_bias"] = jnp.zeros((CONV_H,), jnp.float32)
    # conv layer 1: edge-net D_EDGE -> N_EDGE_NN -> CONV_H*CONV_H, root weight [CONV_H, CONV_H]
    inp["c1_w1"] = _xavier(ks[7], (D_EDGE, N_EDGE_NN))
    inp["c1_b1"] = jnp.zeros((N_EDGE_NN,), jnp.float32)
    inp["c1_w2"] = _xavier(ks[8], (N_EDGE_NN, CONV_H * CONV_H))
    inp["c1_b2"] = jnp.zeros((CONV_H * CONV_H,), jnp.float32)
    inp["c1_root"] = _xavier(ks[9], (CONV_H, CONV_H))
    inp["c1_bias"] = jnp.zeros((CONV_H,), jnp.float32)
    # linear head
    inp["lin0_w"] = _xavier(ks[10], (CONV_H, LIN_H))
    inp["lin0_b"] = jnp.zeros((LIN_H,), jnp.float32)
    inp["lin1_w"] = _xavier(ks[11], (LIN_H, LIN_H))
    inp["lin1_b"] = jnp.zeros((LIN_H,), jnp.float32)
    inp["out_w"] = _xavier(ks[12], (LIN_H, N_CLASS0))
    inp["out_b"] = jnp.zeros((N_CLASS0,), jnp.float32)
    return inp


def _nnconv(x, src, dst, edge_attr, w1, b1, w2, b2, root, bias, in_ch, out_ch):
    # edge network (Linear -> LeakyReLU(0.01) -> Linear) producing per-edge weight matrices
    t = edge_attr @ w1 + b1
    h = jnp.where(t > 0, t, 0.01 * t)
    w = (h @ w2 + b2).reshape(-1, in_ch, out_ch)
    # message: x_j (source node) transformed by per-edge matrix, scatter-add at dst
    msg = jnp.einsum('ei,eio->eo', x[src], w)
    aggr = jax.ops.segment_sum(msg, dst, num_segments=N)
    # root weight + bias (NNConv)
    return aggr + x @ root + bias


def reference(x, edge_index, edge_attr, batch, task_id,
              c0_w1, c0_b1, c0_w2, c0_b2, c0_root, c0_bias,
              c1_w1, c1_b1, c1_w2, c1_b2, c1_root, c1_bias,
              lin0_w, lin0_b, lin1_w, lin1_b, out_w, out_b):
    src = edge_index[0]
    dst = edge_index[1]
    h = jax.nn.relu(_nnconv(x, src, dst, edge_attr, c0_w1, c0_b1, c0_w2, c0_b2, c0_root, c0_bias, D_FEAT, CONV_H))
    h = jax.nn.relu(_nnconv(h, src, dst, edge_attr, c1_w1, c1_b1, c1_w2, c1_b2, c1_root, c1_bias, CONV_H, CONV_H))
    pooled = jax.ops.segment_sum(h, batch, num_segments=N_GRAPHS)
    h = jax.nn.relu(pooled @ lin0_w + lin0_b)  # dropout p=0.0 -> identity
    h = jax.nn.relu(h @ lin1_w + lin1_b)
    out = h @ out_w + out_b  # out_layers[task_id], task_id == 0
    return out

if __name__ == "__main__":
    import jax
    _d = setup_inputs()
    print(jax.jit(kernel)(*tuple(_d.values())))

</pallas_src>

<mosaic_0001>
#map = affine_map<(d0, d1) -> (0, 0)>
#map1 = affine_map<(d0, d1) -> (0)>
module attributes {stable_mosaic.version = 14 : i64} {
  func.func @k(%arg0: i32, %arg1: i32, %arg2: memref<10240x128xf32, #tpu.memory_space<hbm>>, %arg3: memref<163840xi32, #tpu.memory_space<hbm>>, %arg4: memref<163840x128xf32, #tpu.memory_space<hbm>>, %arg5: memref<5120xi32, #tpu.memory_space<vmem>>, %arg6: memref<128x128xf32, #tpu.memory_space<vmem>>, %arg7: memref<128x128xf32, #tpu.memory_space<vmem>>, %arg8: memref<128x128xf32, #tpu.memory_space<vmem>>, %arg9: memref<128x128xf32, #tpu.memory_space<vmem>>, %arg10: memref<!tpu.dma_semaphore, #tpu.memory_space<semaphore_mem>>, %arg11: memref<!tpu.dma_semaphore, #tpu.memory_space<semaphore_mem>>, %arg12: memref<!tpu.dma_semaphore, #tpu.memory_space<semaphore_mem>>, %arg13: memref<!tpu.dma_semaphore, #tpu.memory_space<semaphore_mem>>) attributes {dimension_semantics = [#tpu.dimension_semantics<core_parallel>, #tpu.dimension_semantics<subcore_parallel>], iteration_bounds = array<i64: 2, 16>, scalar_prefetch = 0 : i64, scratch_operands = 9 : i64, tpu.core_type = #tpu.core_type<sc_vector_subcore>, window_params = [{transform_indices = #map}, {transform_indices = #map1}, {transform_indices = #map}]} {
    %mul3A = arith.constant 2 : i32
    %mul3A_0 = arith.muli %arg1, %mul3A : i32
    %add3A = arith.addi %mul3A_0, %arg0 : i32
    %mul3A_1 = arith.constant 5120 : i32
    %mul3A_2 = arith.muli %add3A, %mul3A_1 : i32
    "tpu.region"() ({
      %run_scoped3A = tpu.sem_alloc : memref<!tpu.dma_semaphore, #tpu.memory_space<semaphore_mem>>
      %dma_start3A_22 = tpu.memref_slice %arg3[%mul3A_2] : memref<163840xi32, #tpu.memory_space<hbm>> -> memref<5120xi32, #tpu.memory_space<hbm>>
      %dma_start3A_23 = tpu.memref_slice %arg3[%mul3A_2] : memref<163840xi32, #tpu.memory_space<hbm>> -> memref<5120xi32, #tpu.memory_space<hbm>>
      tpu.enqueue_dma source(%dma_start3A_23 : memref<5120xi32, #tpu.memory_space<hbm>>) target(%arg5 : memref<5120xi32, #tpu.memory_space<vmem>>) target_semaphore(%run_scoped3A : memref<!tpu.dma_semaphore, #tpu.memory_space<semaphore_mem>>)
      %dma_wait3A = tpu.memref_slice %arg3[%mul3A_2] : memref<163840xi32, #tpu.memory_space<hbm>> -> memref<5120xi32, #tpu.memory_space<hbm>>
      %dma_wait3A_24 = tpu.memref_slice %arg3[%mul3A_2] : memref<163840xi32, #tpu.memory_space<hbm>> -> memref<5120xi32, #tpu.memory_space<hbm>>
      tpu.wait_dma2 semaphore(%run_scoped3A : memref<!tpu.dma_semaphore, #tpu.memory_space<semaphore_mem>>) src(%dma_wait3A_24 : memref<5120xi32, #tpu.memory_space<hbm>>) dst(%arg5 : memref<5120xi32, #tpu.memory_space<vmem>>)
      tpu.yield
    }) : () -> ()
    %dma_start3A = arith.constant 0 : i32
    %dma_start3A_3 = tpu.memref_slice %arg5[%dma_start3A] : memref<5120xi32, #tpu.memory_space<vmem>> -> memref<128xi32, #tpu.memory_space<vmem>>
    %dma_start3A_4 = arith.constant 0 : i32
    %dma_start3A_5 = arith.constant 0 : i32
    %dma_start3A_6 = tpu.memref_slice %arg2[%dma_start3A_4, %dma_start3A_5] : memref<10240x128xf32, #tpu.memory_space<hbm>> -> memref<10240x128xf32, #tpu.memory_space<hbm>>
    tpu.enqueue_indirect_dma source(%dma_start3A_6 : memref<10240x128xf32, #tpu.memory_space<hbm>>) target(%arg6 : memref<128x128xf32, #tpu.memory_space<vmem>>) offsets(%dma_start3A_3 : memref<128xi32, #tpu.memory_space<vmem>>) semaphore(%arg10 : memref<!tpu.dma_semaphore, #tpu.memory_space<semaphore_mem>>)
    %dma_start3A_7 = arith.constant 128 : i32
    %dma_start3A_8 = tpu.memref_slice %arg5[%dma_start3A_7] : memref<5120xi32, #tpu.memory_space<vmem>> -> memref<128xi32, #tpu.memory_space<vmem>>
    %dma_start3A_9 = arith.constant 0 : i32
    %dma_start3A_10 = arith.constant 0 : i32
    %dma_start3A_11 = tpu.memref_slice %arg2[%dma_start3A_9, %dma_start3A_10] : memref<10240x128xf32, #tpu.memory_space<hbm>> -> memref<10240x128xf32, #tpu.memory_space<hbm>>
    tpu.enqueue_indirect_dma source(%dma_start3A_11 : memref<10240x128xf32, #tpu.memory_space<hbm>>) target(%arg7 : memref<128x128xf32, #tpu.memory_space<vmem>>) offsets(%dma_start3A_8 : memref<128xi32, #tpu.memory_space<vmem>>) semaphore(%arg11 : memref<!tpu.dma_semaphore, #tpu.memory_space<semaphore_mem>>)
    %dma_start3A_12 = arith.constant 256 : i32
    %dma_start3A_13 = tpu.memref_slice %arg5[%dma_start3A_12] : memref<5120xi32, #tpu.memory_space<vmem>> -> memref<128xi32, #tpu.memory_space<vmem>>
    %dma_start3A_14 = arith.constant 0 : i32
    %dma_start3A_15 = arith.constant 0 : i32
    %dma_start3A_16 = tpu.memref_slice %arg2[%dma_start3A_14, %dma_start3A_15] : memref<10240x128xf32, #tpu.memory_space<hbm>> -> memref<10240x128xf32, #tpu.memory_space<hbm>>
    tpu.enqueue_indirect_dma source(%dma_start3A_16 : memref<10240x128xf32, #tpu.memory_space<hbm>>) target(%arg8 : memref<128x128xf32, #tpu.memory_space<vmem>>) offsets(%dma_start3A_13 : memref<128xi32, #tpu.memory_space<vmem>>) semaphore(%arg12 : memref<!tpu.dma_semaphore, #tpu.memory_space<semaphore_mem>>)
    %scan3A = arith.constant 0 : i32
    %scan3A_17 = arith.constant 0 : i32
    %scan3A_18 = arith.constant 10 : i32
    %scan3A_19 = arith.addi %scan3A_17, %scan3A_18 : i32
    %scan3A_20 = arith.constant 1 : i32
    scf.for %scan3A_22 = %scan3A_17 to %scan3A_19 step %scan3A_20  : i32 {
      %mul3A_23 = arith.constant 4 : i32
      %mul3A_24 = arith.muli %mul3A_23, %scan3A_22 : i32
      %add3A_25 = arith.constant 0 : i32
      %add3A_26 = arith.addi %mul3A_24, %add3A_25 : i32
      %mul3A_27 = arith.constant 128 : i32
      %mul3A_28 = arith.muli %add3A_26, %mul3A_27 : i32
      %dma_wait3A = tpu.memref_slice %arg5[%mul3A_28] : memref<5120xi32, #tpu.memory_space<vmem>> -> memref<128xi32, #tpu.memory_space<vmem>>
      %dma_wait3A_29 = arith.constant 0 : i32
      %dma_wait3A_30 = arith.constant 0 : i32
      %dma_wait3A_31 = tpu.memref_slice %arg2[%dma_wait3A_29, %dma_wait3A_30] : memref<10240x128xf32, #tpu.memory_space<hbm>> -> memref<10240x128xf32, #tpu.memory_space<hbm>>
      tpu.wait_indirect_dma semaphore(%arg10 : memref<!tpu.dma_semaphore, #tpu.memory_space<semaphore_mem>>) src(%dma_wait3A_31 : memref<10240x128xf32, #tpu.memory_space<hbm>>) dst(%arg6 : memref<128x128xf32, #tpu.memory_space<vmem>>)
      %mul3A_32 = arith.constant 128 : i32
      %mul3A_33 = arith.muli %add3A_26, %mul3A_32 : i32
      %add3A_34 = arith.addi %mul3A_2, %mul3A_33 : i32
      "tpu.region"() ({
        %run_scoped3A = tpu.sem_alloc : memref<!tpu.dma_semaphore, #tpu.memory_space<semaphore_mem>>
        %dma_start3A_100 = arith.constant 0 : i32
        %dma_start3A_101 = tpu.memref_slice %arg4[%add3A_34, %dma_start3A_100] : memref<163840x128xf32, #tpu.memory_space<hbm>> -> memref<128x128xf32, #tpu.memory_space<hbm>>
        %dma_start3A_102 = arith.constant 0 : i32
        %dma_start3A_103 = tpu.memref_slice %arg4[%add3A_34, %dma_start3A_102] : memref<163840x128xf32, #tpu.memory_space<hbm>> -> memref<128x128xf32, #tpu.memory_space<hbm>>
        tpu.enqueue_dma source(%arg6 : memref<128x128xf32, #tpu.memory_space<vmem>>) target(%dma_start3A_103 : memref<128x128xf32, #tpu.memory_space<hbm>>) target_semaphore(%run_scoped3A : memref<!tpu.dma_semaphore, #tpu.memory_space<semaphore_mem>>)
        %dma_wait3A_104 = arith.constant 0 : i32
        %dma_wait3A_105 = tpu.memref_slice %arg4[%add3A_34, %dma_wait3A_104] : memref<163840x128xf32, #tpu.memory_space<hbm>> -> memref<128x128xf32, #tpu.memory_space<hbm>>
        %dma_wait3A_106 = arith.constant 0 : i32
        %dma_wait3A_107 = tpu.memref_slice %arg4[%add3A_34, %dma_wait3A_106] : memref<163840x128xf32, #tpu.memory_space<hbm>> -> memref<128x128xf32, #tpu.memory_space<hbm>>
        tpu.wait_dma2 semaphore(%run_scoped3A : memref<!tpu.dma_semaphore, #tpu.memory_space<semaphore_mem>>) src(%arg6 : memref<128x128xf32, #tpu.memory_space<vmem>>) dst(%dma_wait3A_107 : memref<128x128xf32, #tpu.memory_space<hbm>>)
        tpu.yield
      }) : () -> ()
      %add3A_35 = arith.constant 4 : i32
      %add3A_36 = arith.addi %add3A_26, %add3A_35 : i32
      %sub3A = arith.constant 1 : i32
      %sub3A_37 = arith.subi %add3A_36, %sub3A : i32
      %lt3A = arith.constant 40 : i32
      %lt3A_38 = arith.cmpi slt, %sub3A_37, %lt3A : i32
      %convert_element_type3A = arith.extui %lt3A_38 : i1 to i32
      %cond3A = arith.constant 0 : i32
      %cond3A_39 = arith.cmpi ne, %convert_element_type3A, %cond3A : i32
      scf.if %cond3A_39 {
        %add3A_100 = arith.constant 4 : i32
        %add3A_101 = arith.addi %add3A_26, %add3A_100 : i32
        %sub3A_102 = arith.constant 1 : i32
        %sub3A_103 = arith.subi %add3A_101, %sub3A_102 : i32
        %mul3A_104 = arith.constant 128 : i32
        %mul3A_105 = arith.muli %sub3A_103, %mul3A_104 : i32
        %dma_start3A_106 = tpu.memref_slice %arg5[%mul3A_105] : memref<5120xi32, #tpu.memory_space<vmem>> -> memref<128xi32, #tpu.memory_space<vmem>>
        %dma_start3A_107 = arith.constant 0 : i32
        %dma_start3A_108 = arith.constant 0 : i32
        %dma_start3A_109 = tpu.memref_slice %arg2[%dma_start3A_107, %dma_start3A_108] : memref<10240x128xf32, #tpu.memory_space<hbm>> -> memref<10240x128xf32, #tpu.memory_space<hbm>>
        tpu.enqueue_indirect_dma source(%dma_start3A_109 : memref<10240x128xf32, #tpu.memory_space<hbm>>) target(%arg9 : memref<128x128xf32, #tpu.memory_space<vmem>>) offsets(%dma_start3A_106 : memref<128xi32, #tpu.memory_space<vmem>>) semaphore(%arg13 : memref<!tpu.dma_semaphore, #tpu.memory_space<semaphore_mem>>)
      } else {
      }
      %add3A_40 = arith.constant 1 : i32
      %add3A_41 = arith.addi %mul3A_24, %add3A_40 : i32
      %mul3A_42 = arith.constant 128 : i32
      %mul3A_43 = arith.muli %add3A_41, %mul3A_42 : i32
      %dma_wait3A_44 = tpu.memref_slice %arg5[%mul3A_43] : memref<5120xi32, #tpu.memory_space<vmem>> -> memref<128xi32, #tpu.memory_space<vmem>>
      %dma_wait3A_45 = arith.constant 0 : i32
      %dma_wait3A_46 = arith.constant 0 : i32
      %dma_wait3A_47 = tpu.memref_slice %arg2[%dma_wait3A_45, %dma_wait3A_46] : memref<10240x128xf32, #tpu.memory_space<hbm>> -> memref<10240x128xf32, #tpu.memory_space<hbm>>
      tpu.wait_indirect_dma semaphore(%arg11 : memref<!tpu.dma_semaphore, #tpu.memory_space<semaphore_mem>>) src(%dma_wait3A_47 : memref<10240x128xf32, #tpu.memory_space<hbm>>) dst(%arg7 : memref<128x128xf32, #tpu.memory_space<vmem>>)
      %mul3A_48 = arith.constant 128 : i32
      %mul3A_49 = arith.muli %add3A_41, %mul3A_48 : i32
      %add3A_50 = arith.addi %mul3A_2, %mul3A_49 : i32
      "tpu.region"() ({
        %run_scoped3A = tpu.sem_alloc : memref<!tpu.dma_semaphore, #tpu.memory_space<semaphore_mem>>
        %dma_start3A_100 = arith.constant 0 : i32
        %dma_start3A_101 = tpu.memref_slice %arg4[%add3A_50, %dma_start3A_100] : memref<163840x128xf32, #tpu.memory_space<hbm>> -> memref<128x128xf32, #tpu.memory_space<hbm>>
        %dma_start3A_102 = arith.constant 0 : i32
        %dma_start3A_103 = tpu.memref_slice %arg4[%add3A_50, %dma_start3A_102] : memref<163840x128xf32, #tpu.memory_space<hbm>> -> memref<128x128xf32, #tpu.memory_space<hbm>>
        tpu.enqueue_dma source(%arg7 : memref<128x128xf32, #tpu.memory_space<vmem>>) target(%dma_start3A_103 : memref<128x128xf32, #tpu.memory_space<hbm>>) target_semaphore(%run_scoped3A : memref<!tpu.dma_semaphore, #tpu.memory_space<semaphore_mem>>)
        %dma_wait3A_104 = arith.constant 0 : i32
        %dma_wait3A_105 = tpu.memref_slice %arg4[%add3A_50, %dma_wait3A_104] : memref<163840x128xf32, #tpu.memory_space<hbm>> -> memref<128x128xf32, #tpu.memory_space<hbm>>
        %dma_wait3A_106 = arith.constant 0 : i32
        %dma_wait3A_107 = tpu.memref_slice %arg4[%add3A_50, %dma_wait3A_106] : memref<163840x128xf32, #tpu.memory_space<hbm>> -> memref<128x128xf32, #tpu.memory_space<hbm>>
        tpu.wait_dma2 semaphore(%run_scoped3A : memref<!tpu.dma_semaphore, #tpu.memory_space<semaphore_mem>>) src(%arg7 : memref<128x128xf32, #tpu.memory_space<vmem>>) dst(%dma_wait3A_107 : memref<128x128xf32, #tpu.memory_space<hbm>>)
        tpu.yield
      }) : () -> ()
      %add3A_51 = arith.constant 4 : i32
      %add3A_52 = arith.addi %add3A_41, %add3A_51 : i32
      %sub3A_53 = arith.constant 1 : i32
      %sub3A_54 = arith.subi %add3A_52, %sub3A_53 : i32
      %lt3A_55 = arith.constant 40 : i32
      %lt3A_56 = arith.cmpi slt, %sub3A_54, %lt3A_55 : i32
      %convert_element_type3A_57 = arith.extui %lt3A_56 : i1 to i32
      %cond3A_58 = arith.constant 0 : i32
      %cond3A_59 = arith.cmpi ne, %convert_element_type3A_57, %cond3A_58 : i32
      scf.if %cond3A_59 {
        %add3A_100 = arith.constant 4 : i32
        %add3A_101 = arith.addi %add3A_41, %add3A_100 : i32
        %sub3A_102 = arith.constant 1 : i32
        %sub3A_103 = arith.subi %add3A_101, %sub3A_102 : i32
        %mul3A_104 = arith.constant 128 : i32
        %mul3A_105 = arith.muli %sub3A_103, %mul3A_104 : i32
        %dma_start3A_106 = tpu.memref_slice %arg5[%mul3A_105] : memref<5120xi32, #tpu.memory_space<vmem>> -> memref<128xi32, #tpu.memory_space<vmem>>
        %dma_start3A_107 = arith.constant 0 : i32
        %dma_start3A_108 = arith.constant 0 : i32
        %dma_start3A_109 = tpu.memref_slice %arg2[%dma_start3A_107, %dma_start3A_108] : memref<10240x128xf32, #tpu.memory_space<hbm>> -> memref<10240x128xf32, #tpu.memory_space<hbm>>
        tpu.enqueue_indirect_dma source(%dma_start3A_109 : memref<10240x128xf32, #tpu.memory_space<hbm>>) target(%arg6 : memref<128x128xf32, #tpu.memory_space<vmem>>) offsets(%dma_start3A_106 : memref<128xi32, #tpu.memory_space<vmem>>) semaphore(%arg10 : memref<!tpu.dma_semaphore, #tpu.memory_space<semaphore_mem>>)
      } else {
      }
      %add3A_60 = arith.constant 2 : i32
      %add3A_61 = arith.addi %mul3A_24, %add3A_60 : i32
      %mul3A_62 = arith.constant 128 : i32
      %mul3A_63 = arith.muli %add3A_61, %mul3A_62 : i32
      %dma_wait3A_64 = tpu.memref_slice %arg5[%mul3A_63] : memref<5120xi32, #tpu.memory_space<vmem>> -> memref<128xi32, #tpu.memory_space<vmem>>
      %dma_wait3A_65 = arith.constant 0 : i32
      %dma_wait3A_66 = arith.constant 0 : i32
      %dma_wait3A_67 = tpu.memref_slice %arg2[%dma_wait3A_65, %dma_wait3A_66] : memref<10240x128xf32, #tpu.memory_space<hbm>> -> memref<10240x128xf32, #tpu.memory_space<hbm>>
      tpu.wait_indirect_dma semaphore(%arg12 : memref<!tpu.dma_semaphore, #tpu.memory_space<semaphore_mem>>) src(%dma_wait3A_67 : memref<10240x128xf32, #tpu.memory_space<hbm>>) dst(%arg8 : memref<128x128xf32, #tpu.memory_space<vmem>>)
      %mul3A_68 = arith.constant 128 : i32
      %mul3A_69 = arith.muli %add3A_61, %mul3A_68 : i32
      %add3A_70 = arith.addi %mul3A_2, %mul3A_69 : i32
      "tpu.region"() ({
        %run_scoped3A = tpu.sem_alloc : memref<!tpu.dma_semaphore, #tpu.memory_space<semaphore_mem>>
        %dma_start3A_100 = arith.constant 0 : i32
        %dma_start3A_101 = tpu.memref_slice %arg4[%add3A_70, %dma_start3A_100] : memref<163840x128xf32, #tpu.memory_space<hbm>> -> memref<128x128xf32, #tpu.memory_space<hbm>>
        %dma_start3A_102 = arith.constant 0 : i32
        %dma_start3A_103 = tpu.memref_slice %arg4[%add3A_70, %dma_start3A_102] : memref<163840x128xf32, #tpu.memory_space<hbm>> -> memref<128x128xf32, #tpu.memory_space<hbm>>
        tpu.enqueue_dma source(%arg8 : memref<128x128xf32, #tpu.memory_space<vmem>>) target(%dma_start3A_103 : memref<128x128xf32, #tpu.memory_space<hbm>>) target_semaphore(%run_scoped3A : memref<!tpu.dma_semaphore, #tpu.memory_space<semaphore_mem>>)
        %dma_wait3A_104 = arith.constant 0 : i32
        %dma_wait3A_105 = tpu.memref_slice %arg4[%add3A_70, %dma_wait3A_104] : memref<163840x128xf32, #tpu.memory_space<hbm>> -> memref<128x128xf32, #tpu.memory_space<hbm>>
        %dma_wait3A_106 = arith.constant 0 : i32
        %dma_wait3A_107 = tpu.memref_slice %arg4[%add3A_70, %dma_wait3A_106] : memref<163840x128xf32, #tpu.memory_space<hbm>> -> memref<128x128xf32, #tpu.memory_space<hbm>>
        tpu.wait_dma2 semaphore(%run_scoped3A : memref<!tpu.dma_semaphore, #tpu.memory_space<semaphore_mem>>) src(%arg8 : memref<128x128xf32, #tpu.memory_space<vmem>>) dst(%dma_wait3A_107 : memref<128x128xf32, #tpu.memory_space<hbm>>)
        tpu.yield
      }) : () -> ()
      %add3A_71 = arith.constant 4 : i32
      %add3A_72 = arith.addi %add3A_61, %add3A_71 : i32
      %sub3A_73 = arith.constant 1 : i32
      %sub3A_74 = arith.subi %add3A_72, %sub3A_73 : i32
      %lt3A_75 = arith.constant 40 : i32
      %lt3A_76 = arith.cmpi slt, %sub3A_74, %lt3A_75 : i32
      %convert_element_type3A_77 = arith.extui %lt3A_76 : i1 to i32
      %cond3A_78 = arith.constant 0 : i32
      %cond3A_79 = arith.cmpi ne, %convert_element_type3A_77, %cond3A_78 : i32
      scf.if %cond3A_79 {
        %add3A_100 = arith.constant 4 : i32
        %add3A_101 = arith.addi %add3A_61, %add3A_100 : i32
        %sub3A_102 = arith.constant 1 : i32
        %sub3A_103 = arith.subi %add3A_101, %sub3A_102 : i32
        %mul3A_104 = arith.constant 128 : i32
        %mul3A_105 = arith.muli %sub3A_103, %mul3A_104 : i32
        %dma_start3A_106 = tpu.memref_slice %arg5[%mul3A_105] : memref<5120xi32, #tpu.memory_space<vmem>> -> memref<128xi32, #tpu.memory_space<vmem>>
        %dma_start3A_107 = arith.constant 0 : i32
        %dma_start3A_108 = arith.constant 0 : i32
        %dma_start3A_109 = tpu.memref_slice %arg2[%dma_start3A_107, %dma_start3A_108] : memref<10240x128xf32, #tpu.memory_space<hbm>> -> memref<10240x128xf32, #tpu.memory_space<hbm>>
        tpu.enqueue_indirect_dma source(%dma_start3A_109 : memref<10240x128xf32, #tpu.memory_space<hbm>>) target(%arg7 : memref<128x128xf32, #tpu.memory_space<vmem>>) offsets(%dma_start3A_106 : memref<128xi32, #tpu.memory_space<vmem>>) semaphore(%arg11 : memref<!tpu.dma_semaphore, #tpu.memory_space<semaphore_mem>>)
      } else {
      }
      %add3A_80 = arith.constant 3 : i32
      %add3A_81 = arith.addi %mul3A_24, %add3A_80 : i32
      %mul3A_82 = arith.constant 128 : i32
      %mul3A_83 = arith.muli %add3A_81, %mul3A_82 : i32
      %dma_wait3A_84 = tpu.memref_slice %arg5[%mul3A_83] : memref<5120xi32, #tpu.memory_space<vmem>> -> memref<128xi32, #tpu.memory_space<vmem>>
      %dma_wait3A_85 = arith.constant 0 : i32
      %dma_wait3A_86 = arith.constant 0 : i32
      %dma_wait3A_87 = tpu.memref_slice %arg2[%dma_wait3A_85, %dma_wait3A_86] : memref<10240x128xf32, #tpu.memory_space<hbm>> -> memref<10240x128xf32, #tpu.memory_space<hbm>>
      tpu.wait_indirect_dma semaphore(%arg13 : memref<!tpu.dma_semaphore, #tpu.memory_space<semaphore_mem>>) src(%dma_wait3A_87 : memref<10240x128xf32, #tpu.memory_space<hbm>>) dst(%arg9 : memref<128x128xf32, #tpu.memory_space<vmem>>)
      %mul3A_88 = arith.constant 128 : i32
      %mul3A_89 = arith.muli %add3A_81, %mul3A_88 : i32
      %add3A_90 = arith.addi %mul3A_2, %mul3A_89 : i32
      "tpu.region"() ({
        %run_scoped3A = tpu.sem_alloc : memref<!tpu.dma_semaphore, #tpu.memory_space<semaphore_mem>>
        %dma_start3A_100 = arith.constant 0 : i32
        %dma_start3A_101 = tpu.memref_slice %arg4[%add3A_90, %dma_start3A_100] : memref<163840x128xf32, #tpu.memory_space<hbm>> -> memref<128x128xf32, #tpu.memory_space<hbm>>
        %dma_start3A_102 = arith.constant 0 : i32
        %dma_start3A_103 = tpu.memref_slice %arg4[%add3A_90, %dma_start3A_102] : memref<163840x128xf32, #tpu.memory_space<hbm>> -> memref<128x128xf32, #tpu.memory_space<hbm>>
        tpu.enqueue_dma source(%arg9 : memref<128x128xf32, #tpu.memory_space<vmem>>) target(%dma_start3A_103 : memref<128x128xf32, #tpu.memory_space<hbm>>) target_semaphore(%run_scoped3A : memref<!tpu.dma_semaphore, #tpu.memory_space<semaphore_mem>>)
        %dma_wait3A_104 = arith.constant 0 : i32
        %dma_wait3A_105 = tpu.memref_slice %arg4[%add3A_90, %dma_wait3A_104] : memref<163840x128xf32, #tpu.memory_space<hbm>> -> memref<128x128xf32, #tpu.memory_space<hbm>>
        %dma_wait3A_106 = arith.constant 0 : i32
        %dma_wait3A_107 = tpu.memref_slice %arg4[%add3A_90, %dma_wait3A_106] : memref<163840x128xf32, #tpu.memory_space<hbm>> -> memref<128x128xf32, #tpu.memory_space<hbm>>
        tpu.wait_dma2 semaphore(%run_scoped3A : memref<!tpu.dma_semaphore, #tpu.memory_space<semaphore_mem>>) src(%arg9 : memref<128x128xf32, #tpu.memory_space<vmem>>) dst(%dma_wait3A_107 : memref<128x128xf32, #tpu.memory_space<hbm>>)
        tpu.yield
      }) : () -> ()
      %add3A_91 = arith.constant 4 : i32
      %add3A_92 = arith.addi %add3A_81, %add3A_91 : i32
      %sub3A_93 = arith.constant 1 : i32
      %sub3A_94 = arith.subi %add3A_92, %sub3A_93 : i32
      %lt3A_95 = arith.constant 40 : i32
      %lt3A_96 = arith.cmpi slt, %sub3A_94, %lt3A_95 : i32
      %convert_element_type3A_97 = arith.extui %lt3A_96 : i1 to i32
      %cond3A_98 = arith.constant 0 : i32
      %cond3A_99 = arith.cmpi ne, %convert_element_type3A_97, %cond3A_98 : i32
      scf.if %cond3A_99 {
        %add3A_100 = arith.constant 4 : i32
        %add3A_101 = arith.addi %add3A_81, %add3A_100 : i32
        %sub3A_102 = arith.constant 1 : i32
        %sub3A_103 = arith.subi %add3A_101, %sub3A_102 : i32
        %mul3A_104 = arith.constant 128 : i32
        %mul3A_105 = arith.muli %sub3A_103, %mul3A_104 : i32
        %dma_start3A_106 = tpu.memref_slice %arg5[%mul3A_105] : memref<5120xi32, #tpu.memory_space<vmem>> -> memref<128xi32, #tpu.memory_space<vmem>>
        %dma_start3A_107 = arith.constant 0 : i32
        %dma_start3A_108 = arith.constant 0 : i32
        %dma_start3A_109 = tpu.memref_slice %arg2[%dma_start3A_107, %dma_start3A_108] : memref<10240x128xf32, #tpu.memory_space<hbm>> -> memref<10240x128xf32, #tpu.memory_space<hbm>>
        tpu.enqueue_indirect_dma source(%dma_start3A_109 : memref<10240x128xf32, #tpu.memory_space<hbm>>) target(%arg8 : memref<128x128xf32, #tpu.memory_space<vmem>>) offsets(%dma_start3A_106 : memref<128xi32, #tpu.memory_space<vmem>>) semaphore(%arg12 : memref<!tpu.dma_semaphore, #tpu.memory_space<semaphore_mem>>)
      } else {
      }
    }
    %scan3A_21 = arith.constant 10 : i32
    return
  }
}

#map = affine_map<(d0, d1) -> (0, 0)>
#map1 = affine_map<(d0, d1) -> (0)>
module attributes {stable_mosaic.version = 14 : i64} {
  func.func @k(%arg0: i32, %arg1: i32, %arg2: memref<10240x128xf32, #tpu.memory_space<hbm>>, %arg3: memref<163840xi32, #tpu.memory_space<hbm>>, %arg4: memref<163840x128xf32, #tpu.memory_space<hbm>>, %arg5: memref<5120xi32, #tpu.memory_space<vmem>>, %arg6: memref<128x128xf32, #tpu.memory_space<vmem>>, %arg7: memref<128x128xf32, #tpu.memory_space<vmem>>, %arg8: memref<128x128xf32, #tpu.memory_space<vmem>>, %arg9: memref<128x128xf32, #tpu.memory_space<vmem>>, %arg10: memref<!tpu.dma_semaphore, #tpu.memory_space<semaphore_mem>>, %arg11: memref<!tpu.dma_semaphore, #tpu.memory_space<semaphore_mem>>, %arg12: memref<!tpu.dma_semaphore, #tpu.memory_space<semaphore_mem>>, %arg13: memref<!tpu.dma_semaphore, #tpu.memory_space<semaphore_mem>>) attributes {dimension_semantics = [#tpu.dimension_semantics<core_parallel>, #tpu.dimension_semantics<subcore_parallel>], iteration_bounds = array<i64: 2, 16>, scalar_prefetch = 0 : i64, scratch_operands = 9 : i64, tpu.core_type = #tpu.core_type<sc_vector_subcore>, window_params = [{transform_indices = #map}, {transform_indices = #map1}, {transform_indices = #map}]} {
    %mul3A = arith.constant 2 : i32
    %mul3A_0 = arith.muli %arg1, %mul3A : i32
    %add3A = arith.addi %mul3A_0, %arg0 : i32
    %mul3A_1 = arith.constant 5120 : i32
    %mul3A_2 = arith.muli %add3A, %mul3A_1 : i32
    "tpu.region"() ({
      %run_scoped3A = tpu.sem_alloc : memref<!tpu.dma_semaphore, #tpu.memory_space<semaphore_mem>>
      %dma_start3A_22 = tpu.memref_slice %arg3[%mul3A_2] : memref<163840xi32, #tpu.memory_space<hbm>> -> memref<5120xi32, #tpu.memory_space<hbm>>
      %dma_start3A_23 = tpu.memref_slice %arg3[%mul3A_2] : memref<163840xi32, #tpu.memory_space<hbm>> -> memref<5120xi32, #tpu.memory_space<hbm>>
      tpu.enqueue_dma source(%dma_start3A_23 : memref<5120xi32, #tpu.memory_space<hbm>>) target(%arg5 : memref<5120xi32, #tpu.memory_space<vmem>>) target_semaphore(%run_scoped3A : memref<!tpu.dma_semaphore, #tpu.memory_space<semaphore_mem>>)
      %dma_wait3A = tpu.memref_slice %arg3[%mul3A_2] : memref<163840xi32, #tpu.memory_space<hbm>> -> memref<5120xi32, #tpu.memory_space<hbm>>
      %dma_wait3A_24 = tpu.memref_slice %arg3[%mul3A_2] : memref<163840xi32, #tpu.memory_space<hbm>> -> memref<5120xi32, #tpu.memory_space<hbm>>
      tpu.wait_dma2 semaphore(%run_scoped3A : memref<!tpu.dma_semaphore, #tpu.memory_space<semaphore_mem>>) src(%dma_wait3A_24 : memref<5120xi32, #tpu.memory_space<hbm>>) dst(%arg5 : memref<5120xi32, #tpu.memory_space<vmem>>)
      tpu.yield
    }) : () -> ()
    %dma_start3A = arith.constant 0 : i32
    %dma_start3A_3 = tpu.memref_slice %arg5[%dma_start3A] : memref<5120xi32, #tpu.memory_space<vmem>> -> memref<128xi32, #tpu.memory_space<vmem>>
    %dma_start3A_4 = arith.constant 0 : i32
    %dma_start3A_5 = arith.constant 0 : i32
    %dma_start3A_6 = tpu.memref_slice %arg2[%dma_start3A_4, %dma_start3A_5] : memref<10240x128xf32, #tpu.memory_space<hbm>> -> memref<10240x128xf32, #tpu.memory_space<hbm>>
    tpu.enqueue_indirect_dma source(%dma_start3A_6 : memref<10240x128xf32, #tpu.memory_space<hbm>>) target(%arg6 : memref<128x128xf32, #tpu.memory_space<vmem>>) offsets(%dma_start3A_3 : memref<128xi32, #tpu.memory_space<vmem>>) semaphore(%arg10 : memref<!tpu.dma_semaphore, #tpu.memory_space<semaphore_mem>>)
    %dma_start3A_7 = arith.constant 128 : i32
    %dma_start3A_8 = tpu.memref_slice %arg5[%dma_start3A_7] : memref<5120xi32, #tpu.memory_space<vmem>> -> memref<128xi32, #tpu.memory_space<vmem>>
    %dma_start3A_9 = arith.constant 0 : i32
    %dma_start3A_10 = arith.constant 0 : i32
    %dma_start3A_11 = tpu.memref_slice %arg2[%dma_start3A_9, %dma_start3A_10] : memref<10240x128xf32, #tpu.memory_space<hbm>> -> memref<10240x128xf32, #tpu.memory_space<hbm>>
    tpu.enqueue_indirect_dma source(%dma_start3A_11 : memref<10240x128xf32, #tpu.memory_space<hbm>>) target(%arg7 : memref<128x128xf32, #tpu.memory_space<vmem>>) offsets(%dma_start3A_8 : memref<128xi32, #tpu.memory_space<vmem>>) semaphore(%arg11 : memref<!tpu.dma_semaphore, #tpu.memory_space<semaphore_mem>>)
    %dma_start3A_12 = arith.constant 256 : i32
    %dma_start3A_13 = tpu.memref_slice %arg5[%dma_start3A_12] : memref<5120xi32, #tpu.memory_space<vmem>> -> memref<128xi32, #tpu.memory_space<vmem>>
    %dma_start3A_14 = arith.constant 0 : i32
    %dma_start3A_15 = arith.constant 0 : i32
    %dma_start3A_16 = tpu.memref_slice %arg2[%dma_start3A_14, %dma_start3A_15] : memref<10240x128xf32, #tpu.memory_space<hbm>> -> memref<10240x128xf32, #tpu.memory_space<hbm>>
    tpu.enqueue_indirect_dma source(%dma_start3A_16 : memref<10240x128xf32, #tpu.memory_space<hbm>>) target(%arg8 : memref<128x128xf32, #tpu.memory_space<vmem>>) offsets(%dma_start3A_13 : memref<128xi32, #tpu.memory_space<vmem>>) semaphore(%arg12 : memref<!tpu.dma_semaphore, #tpu.memory_space<semaphore_mem>>)
    %scan3A = arith.constant 0 : i32
    %scan3A_17 = arith.constant 0 : i32
    %scan3A_18 = arith.constant 10 : i32
    %scan3A_19 = arith.addi %scan3A_17, %scan3A_18 : i32
    %scan3A_20 = arith.constant 1 : i32
    scf.for %scan3A_22 = %scan3A_17 to %scan3A_19 step %scan3A_20  : i32 {
      %mul3A_23 = arith.constant 4 : i32
      %mul3A_24 = arith.muli %mul3A_23, %scan3A_22 : i32
      %add3A_25 = arith.constant 0 : i32
      %add3A_26 = arith.addi %mul3A_24, %add3A_25 : i32
      %mul3A_27 = arith.constant 128 : i32
      %mul3A_28 = arith.muli %add3A_26, %mul3A_27 : i32
      %dma_wait3A = tpu.memref_slice %arg5[%mul3A_28] : memref<5120xi32, #tpu.memory_space<vmem>> -> memref<128xi32, #tpu.memory_space<vmem>>
      %dma_wait3A_29 = arith.constant 0 : i32
      %dma_wait3A_30 = arith.constant 0 : i32
      %dma_wait3A_31 = tpu.memref_slice %arg2[%dma_wait3A_29, %dma_wait3A_30] : memref<10240x128xf32, #tpu.memory_space<hbm>> -> memref<10240x128xf32, #tpu.memory_space<hbm>>
      tpu.wait_indirect_dma semaphore(%arg10 : memref<!tpu.dma_semaphore, #tpu.memory_space<semaphore_mem>>) src(%dma_wait3A_31 : memref<10240x128xf32, #tpu.memory_space<hbm>>) dst(%arg6 : memref<128x128xf32, #tpu.memory_space<vmem>>)
      %mul3A_32 = arith.constant 128 : i32
      %mul3A_33 = arith.muli %add3A_26, %mul3A_32 : i32
      %add3A_34 = arith.addi %mul3A_2, %mul3A_33 : i32
      "tpu.region"() ({
        %run_scoped3A = tpu.sem_alloc : memref<!tpu.dma_semaphore, #tpu.memory_space<semaphore_mem>>
        %dma_start3A_100 = arith.constant 0 : i32
        %dma_start3A_101 = tpu.memref_slice %arg4[%add3A_34, %dma_start3A_100] : memref<163840x128xf32, #tpu.memory_space<hbm>> -> memref<128x128xf32, #tpu.memory_space<hbm>>
        %dma_start3A_102 = arith.constant 0 : i32
        %dma_start3A_103 = tpu.memref_slice %arg4[%add3A_34, %dma_start3A_102] : memref<163840x128xf32, #tpu.memory_space<hbm>> -> memref<128x128xf32, #tpu.memory_space<hbm>>
        tpu.enqueue_dma source(%arg6 : memref<128x128xf32, #tpu.memory_space<vmem>>) target(%dma_start3A_103 : memref<128x128xf32, #tpu.memory_space<hbm>>) target_semaphore(%run_scoped3A : memref<!tpu.dma_semaphore, #tpu.memory_space<semaphore_mem>>)
        %dma_wait3A_104 = arith.constant 0 : i32
        %dma_wait3A_105 = tpu.memref_slice %arg4[%add3A_34, %dma_wait3A_104] : memref<163840x128xf32, #tpu.memory_space<hbm>> -> memref<128x128xf32, #tpu.memory_space<hbm>>
        %dma_wait3A_106 = arith.constant 0 : i32
        %dma_wait3A_107 = tpu.memref_slice %arg4[%add3A_34, %dma_wait3A_106] : memref<163840x128xf32, #tpu.memory_space<hbm>> -> memref<128x128xf32, #tpu.memory_space<hbm>>
        tpu.wait_dma2 semaphore(%run_scoped3A : memref<!tpu.dma_semaphore, #tpu.memory_space<semaphore_mem>>) src(%arg6 : memref<128x128xf32, #tpu.memory_space<vmem>>) dst(%dma_wait3A_107 : memref<128x128xf32, #tpu.memory_space<hbm>>)
        tpu.yield
      }) : () -> ()
      %add3A_35 = arith.constant 4 : i32
      %add3A_36 = arith.addi %add3A_26, %add3A_35 : i32
      %sub3A = arith.constant 1 : i32
      %sub3A_37 = arith.subi %add3A_36, %sub3A : i32
      %lt3A = arith.constant 40 : i32
      %lt3A_38 = arith.cmpi slt, %sub3A_37, %lt3A : i32
      %convert_element_type3A = arith.extui %lt3A_38 : i1 to i32
      %cond3A = arith.constant 0 : i32
      %cond3A_39 = arith.cmpi ne, %convert_element_type3A, %cond3A : i32
      scf.if %cond3A_39 {
        %add3A_100 = arith.constant 4 : i32
        %add3A_101 = arith.addi %add3A_26, %add3A_100 : i32
        %sub3A_102 = arith.constant 1 : i32
        %sub3A_103 = arith.subi %add3A_101, %sub3A_102 : i32
        %mul3A_104 = arith.constant 128 : i32
        %mul3A_105 = arith.muli %sub3A_103, %mul3A_104 : i32
        %dma_start3A_106 = tpu.memref_slice %arg5[%mul3A_105] : memref<5120xi32, #tpu.memory_space<vmem>> -> memref<128xi32, #tpu.memory_space<vmem>>
        %dma_start3A_107 = arith.constant 0 : i32
        %dma_start3A_108 = arith.constant 0 : i32
        %dma_start3A_109 = tpu.memref_slice %arg2[%dma_start3A_107, %dma_start3A_108] : memref<10240x128xf32, #tpu.memory_space<hbm>> -> memref<10240x128xf32, #tpu.memory_space<hbm>>
        tpu.enqueue_indirect_dma source(%dma_start3A_109 : memref<10240x128xf32, #tpu.memory_space<hbm>>) target(%arg9 : memref<128x128xf32, #tpu.memory_space<vmem>>) offsets(%dma_start3A_106 : memref<128xi32, #tpu.memory_space<vmem>>) semaphore(%arg13 : memref<!tpu.dma_semaphore, #tpu.memory_space<semaphore_mem>>)
      } else {
      }
      %add3A_40 = arith.constant 1 : i32
      %add3A_41 = arith.addi %mul3A_24, %add3A_40 : i32
      %mul3A_42 = arith.constant 128 : i32
      %mul3A_43 = arith.muli %add3A_41, %mul3A_42 : i32
      %dma_wait3A_44 = tpu.memref_slice %arg5[%mul3A_43] : memref<5120xi32, #tpu.memory_space<vmem>> -> memref<128xi32, #tpu.memory_space<vmem>>
      %dma_wait3A_45 = arith.constant 0 : i32
      %dma_wait3A_46 = arith.constant 0 : i32
      %dma_wait3A_47 = tpu.memref_slice %arg2[%dma_wait3A_45, %dma_wait3A_46] : memref<10240x128xf32, #tpu.memory_space<hbm>> -> memref<10240x128xf32, #tpu.memory_space<hbm>>
      tpu.wait_indirect_dma semaphore(%arg11 : memref<!tpu.dma_semaphore, #tpu.memory_space<semaphore_mem>>) src(%dma_wait3A_47 : memref<10240x128xf32, #tpu.memory_space<hbm>>) dst(%arg7 : memref<128x128xf32, #tpu.memory_space<vmem>>)
      %mul3A_48 = arith.constant 128 : i32
      %mul3A_49 = arith.muli %add3A_41, %mul3A_48 : i32
      %add3A_50 = arith.addi %mul3A_2, %mul3A_49 : i32
      "tpu.region"() ({
        %run_scoped3A = tpu.sem_alloc : memref<!tpu.dma_semaphore, #tpu.memory_space<semaphore_mem>>
        %dma_start3A_100 = arith.constant 0 : i32
        %dma_start3A_101 = tpu.memref_slice %arg4[%add3A_50, %dma_start3A_100] : memref<163840x128xf32, #tpu.memory_space<hbm>> -> memref<128x128xf32, #tpu.memory_space<hbm>>
        %dma_start3A_102 = arith.constant 0 : i32
        %dma_start3A_103 = tpu.memref_slice %arg4[%add3A_50, %dma_start3A_102] : memref<163840x128xf32, #tpu.memory_space<hbm>> -> memref<128x128xf32, #tpu.memory_space<hbm>>
        tpu.enqueue_dma source(%arg7 : memref<128x128xf32, #tpu.memory_space<vmem>>) target(%dma_start3A_103 : memref<128x128xf32, #tpu.memory_space<hbm>>) target_semaphore(%run_scoped3A : memref<!tpu.dma_semaphore, #tpu.memory_space<semaphore_mem>>)
        %dma_wait3A_104 = arith.constant 0 : i32
        %dma_wait3A_105 = tpu.memref_slice %arg4[%add3A_50, %dma_wait3A_104] : memref<163840x128xf32, #tpu.memory_space<hbm>> -> memref<128x128xf32, #tpu.memory_space<hbm>>
        %dma_wait3A_106 = arith.constant 0 : i32
        %dma_wait3A_107 = tpu.memref_slice %arg4[%add3A_50, %dma_wait3A_106] : memref<163840x128xf32, #tpu.memory_space<hbm>> -> memref<128x128xf32, #tpu.memory_space<hbm>>
        tpu.wait_dma2 semaphore(%run_scoped3A : memref<!tpu.dma_semaphore, #tpu.memory_space<semaphore_mem>>) src(%arg7 : memref<128x128xf32, #tpu.memory_space<vmem>>) dst(%dma_wait3A_107 : memref<128x128xf32, #tpu.memory_space<hbm>>)
        tpu.yield
      }) : () -> ()
      %add3A_51 = arith.constant 4 : i32
      %add3A_52 = arith.addi %add3A_41, %add3A_51 : i32
      %sub3A_53 = arith.constant 1 : i32
      %sub3A_54 = arith.subi %add3A_52, %sub3A_53 : i32
      %lt3A_55 = arith.constant 40 : i32
      %lt3A_56 = arith.cmpi slt, %sub3A_54, %lt3A_55 : i32
      %convert_element_type3A_57 = arith.extui %lt3A_56 : i1 to i32
      %cond3A_58 = arith.constant 0 : i32
      %cond3A_59 = arith.cmpi ne, %convert_element_type3A_57, %cond3A_58 : i32
      scf.if %cond3A_59 {
        %add3A_100 = arith.constant 4 : i32
        %add3A_101 = arith.addi %add3A_41, %add3A_100 : i32
        %sub3A_102 = arith.constant 1 : i32
        %sub3A_103 = arith.subi %add3A_101, %sub3A_102 : i32
        %mul3A_104 = arith.constant 128 : i32
        %mul3A_105 = arith.muli %sub3A_103, %mul3A_104 : i32
        %dma_start3A_106 = tpu.memref_slice %arg5[%mul3A_105] : memref<5120xi32, #tpu.memory_space<vmem>> -> memref<128xi32, #tpu.memory_space<vmem>>
        %dma_start3A_107 = arith.constant 0 : i32
        %dma_start3A_108 = arith.constant 0 : i32
        %dma_start3A_109 = tpu.memref_slice %arg2[%dma_start3A_107, %dma_start3A_108] : memref<10240x128xf32, #tpu.memory_space<hbm>> -> memref<10240x128xf32, #tpu.memory_space<hbm>>
        tpu.enqueue_indirect_dma source(%dma_start3A_109 : memref<10240x128xf32, #tpu.memory_space<hbm>>) target(%arg6 : memref<128x128xf32, #tpu.memory_space<vmem>>) offsets(%dma_start3A_106 : memref<128xi32, #tpu.memory_space<vmem>>) semaphore(%arg10 : memref<!tpu.dma_semaphore, #tpu.memory_space<semaphore_mem>>)
      } else {
      }
      %add3A_60 = arith.constant 2 : i32
      %add3A_61 = arith.addi %mul3A_24, %add3A_60 : i32
      %mul3A_62 = arith.constant 128 : i32
      %mul3A_63 = arith.muli %add3A_61, %mul3A_62 : i32
      %dma_wait3A_64 = tpu.memref_slice %arg5[%mul3A_63] : memref<5120xi32, #tpu.memory_space<vmem>> -> memref<128xi32, #tpu.memory_space<vmem>>
      %dma_wait3A_65 = arith.constant 0 : i32
      %dma_wait3A_66 = arith.constant 0 : i32
      %dma_wait3A_67 = tpu.memref_slice %arg2[%dma_wait3A_65, %dma_wait3A_66] : memref<10240x128xf32, #tpu.memory_space<hbm>> -> memref<10240x128xf32, #tpu.memory_space<hbm>>
      tpu.wait_indirect_dma semaphore(%arg12 : memref<!tpu.dma_semaphore, #tpu.memory_space<semaphore_mem>>) src(%dma_wait3A_67 : memref<10240x128xf32, #tpu.memory_space<hbm>>) dst(%arg8 : memref<128x128xf32, #tpu.memory_space<vmem>>)
      %mul3A_68 = arith.constant 128 : i32
      %mul3A_69 = arith.muli %add3A_61, %mul3A_68 : i32
      %add3A_70 = arith.addi %mul3A_2, %mul3A_69 : i32
      "tpu.region"() ({
        %run_scoped3A = tpu.sem_alloc : memref<!tpu.dma_semaphore, #tpu.memory_space<semaphore_mem>>
        %dma_start3A_100 = arith.constant 0 : i32
        %dma_start3A_101 = tpu.memref_slice %arg4[%add3A_70, %dma_start3A_100] : memref<163840x128xf32, #tpu.memory_space<hbm>> -> memref<128x128xf32, #tpu.memory_space<hbm>>
        %dma_start3A_102 = arith.constant 0 : i32
        %dma_start3A_103 = tpu.memref_slice %arg4[%add3A_70, %dma_start3A_102] : memref<163840x128xf32, #tpu.memory_space<hbm>> -> memref<128x128xf32, #tpu.memory_space<hbm>>
        tpu.enqueue_dma source(%arg8 : memref<128x128xf32, #tpu.memory_space<vmem>>) target(%dma_start3A_103 : memref<128x128xf32, #tpu.memory_space<hbm>>) target_semaphore(%run_scoped3A : memref<!tpu.dma_semaphore, #tpu.memory_space<semaphore_mem>>)
        %dma_wait3A_104 = arith.constant 0 : i32
        %dma_wait3A_105 = tpu.memref_slice %arg4[%add3A_70, %dma_wait3A_104] : memref<163840x128xf32, #tpu.memory_space<hbm>> -> memref<128x128xf32, #tpu.memory_space<hbm>>
        %dma_wait3A_106 = arith.constant 0 : i32
        %dma_wait3A_107 = tpu.memref_slice %arg4[%add3A_70, %dma_wait3A_106] : memref<163840x128xf32, #tpu.memory_space<hbm>> -> memref<128x128xf32, #tpu.memory_space<hbm>>
        tpu.wait_dma2 semaphore(%run_scoped3A : memref<!tpu.dma_semaphore, #tpu.memory_space<semaphore_mem>>) src(%arg8 : memref<128x128xf32, #tpu.memory_space<vmem>>) dst(%dma_wait3A_107 : memref<128x128xf32, #tpu.memory_space<hbm>>)
        tpu.yield
      }) : () -> ()
      %add3A_71 = arith.constant 4 : i32
      %add3A_72 = arith.addi %add3A_61, %add3A_71 : i32
      %sub3A_73 = arith.constant 1 : i32
      %sub3A_74 = arith.subi %add3A_72, %sub3A_73 : i32
      %lt3A_75 = arith.constant 40 : i32
      %lt3A_76 = arith.cmpi slt, %sub3A_74, %lt3A_75 : i32
      %convert_element_type3A_77 = arith.extui %lt3A_76 : i1 to i32
      %cond3A_78 = arith.constant 0 : i32
      %cond3A_79 = arith.cmpi ne, %convert_element_type3A_77, %cond3A_78 : i32
      scf.if %cond3A_79 {
        %add3A_100 = arith.constant 4 : i32
        %add3A_101 = arith.addi %add3A_61, %add3A_100 : i32
        %sub3A_102 = arith.constant 1 : i32
        %sub3A_103 = arith.subi %add3A_101, %sub3A_102 : i32
        %mul3A_104 = arith.constant 128 : i32
        %mul3A_105 = arith.muli %sub3A_103, %mul3A_104 : i32
        %dma_start3A_106 = tpu.memref_slice %arg5[%mul3A_105] : memref<5120xi32, #tpu.memory_space<vmem>> -> memref<128xi32, #tpu.memory_space<vmem>>
        %dma_start3A_107 = arith.constant 0 : i32
        %dma_start3A_108 = arith.constant 0 : i32
        %dma_start3A_109 = tpu.memref_slice %arg2[%dma_start3A_107, %dma_start3A_108] : memref<10240x128xf32, #tpu.memory_space<hbm>> -> memref<10240x128xf32, #tpu.memory_space<hbm>>
        tpu.enqueue_indirect_dma source(%dma_start3A_109 : memref<10240x128xf32, #tpu.memory_space<hbm>>) target(%arg7 : memref<128x128xf32, #tpu.memory_space<vmem>>) offsets(%dma_start3A_106 : memref<128xi32, #tpu.memory_space<vmem>>) semaphore(%arg11 : memref<!tpu.dma_semaphore, #tpu.memory_space<semaphore_mem>>)
      } else {
      }
      %add3A_80 = arith.constant 3 : i32
      %add3A_81 = arith.addi %mul3A_24, %add3A_80 : i32
      %mul3A_82 = arith.constant 128 : i32
      %mul3A_83 = arith.muli %add3A_81, %mul3A_82 : i32
      %dma_wait3A_84 = tpu.memref_slice %arg5[%mul3A_83] : memref<5120xi32, #tpu.memory_space<vmem>> -> memref<128xi32, #tpu.memory_space<vmem>>
      %dma_wait3A_85 = arith.constant 0 : i32
      %dma_wait3A_86 = arith.constant 0 : i32
      %dma_wait3A_87 = tpu.memref_slice %arg2[%dma_wait3A_85, %dma_wait3A_86] : memref<10240x128xf32, #tpu.memory_space<hbm>> -> memref<10240x128xf32, #tpu.memory_space<hbm>>
      tpu.wait_indirect_dma semaphore(%arg13 : memref<!tpu.dma_semaphore, #tpu.memory_space<semaphore_mem>>) src(%dma_wait3A_87 : memref<10240x128xf32, #tpu.memory_space<hbm>>) dst(%arg9 : memref<128x128xf32, #tpu.memory_space<vmem>>)
      %mul3A_88 = arith.constant 128 : i32
      %mul3A_89 = arith.muli %add3A_81, %mul3A_88 : i32
      %add3A_90 = arith.addi %mul3A_2, %mul3A_89 : i32
      "tpu.region"() ({
        %run_scoped3A = tpu.sem_alloc : memref<!tpu.dma_semaphore, #tpu.memory_space<semaphore_mem>>
        %dma_start3A_100 = arith.constant 0 : i32
        %dma_start3A_101 = tpu.memref_slice %arg4[%add3A_90, %dma_start3A_100] : memref<163840x128xf32, #tpu.memory_space<hbm>> -> memref<128x128xf32, #tpu.memory_space<hbm>>
        %dma_start3A_102 = arith.constant 0 : i32
        %dma_start3A_103 = tpu.memref_slice %arg4[%add3A_90, %dma_start3A_102] : memref<163840x128xf32, #tpu.memory_space<hbm>> -> memref<128x128xf32, #tpu.memory_space<hbm>>
        tpu.enqueue_dma source(%arg9 : memref<128x128xf32, #tpu.memory_space<vmem>>) target(%dma_start3A_103 : memref<128x128xf32, #tpu.memory_space<hbm>>) target_semaphore(%run_scoped3A : memref<!tpu.dma_semaphore, #tpu.memory_space<semaphore_mem>>)
        %dma_wait3A_104 = arith.constant 0 : i32
        %dma_wait3A_105 = tpu.memref_slice %arg4[%add3A_90, %dma_wait3A_104] : memref<163840x128xf32, #tpu.memory_space<hbm>> -> memref<128x128xf32, #tpu.memory_space<hbm>>
        %dma_wait3A_106 = arith.constant 0 : i32
        %dma_wait3A_107 = tpu.memref_slice %arg4[%add3A_90, %dma_wait3A_106] : memref<163840x128xf32, #tpu.memory_space<hbm>> -> memref<128x128xf32, #tpu.memory_space<hbm>>
        tpu.wait_dma2 semaphore(%run_scoped3A : memref<!tpu.dma_semaphore, #tpu.memory_space<semaphore_mem>>) src(%arg9 : memref<128x128xf32, #tpu.memory_space<vmem>>) dst(%dma_wait3A_107 : memref<128x128xf32, #tpu.memory_space<hbm>>)
        tpu.yield
      }) : () -> ()
      %add3A_91 = arith.constant 4 : i32
      %add3A_92 = arith.addi %add3A_81, %add3A_91 : i32
      %sub3A_93 = arith.constant 1 : i32
      %sub3A_94 = arith.subi %add3A_92, %sub3A_93 : i32
      %lt3A_95 = arith.constant 40 : i32
      %lt3A_96 = arith.cmpi slt, %sub3A_94, %lt3A_95 : i32
      %convert_element_type3A_97 = arith.extui %lt3A_96 : i1 to i32
      %cond3A_98 = arith.constant 0 : i32
      %cond3A_99 = arith.cmpi ne, %convert_element_type3A_97, %cond3A_98 : i32
      scf.if %cond3A_99 {
        %add3A_100 = arith.constant 4 : i32
        %add3A_101 = arith.addi %add3A_81, %add3A_100 : i32
        %sub3A_102 = arith.constant 1 : i32
        %sub3A_103 = arith.subi %add3A_101, %sub3A_102 : i32
        %mul3A_104 = arith.constant 128 : i32
        %mul3A_105 = arith.muli %sub3A_103, %mul3A_104 : i32
        %dma_start3A_106 = tpu.memref_slice %arg5[%mul3A_105] : memref<5120xi32, #tpu.memory_space<vmem>> -> memref<128xi32, #tpu.memory_space<vmem>>
        %dma_start3A_107 = arith.constant 0 : i32
        %dma_start3A_108 = arith.constant 0 : i32
        %dma_start3A_109 = tpu.memref_slice %arg2[%dma_start3A_107, %dma_start3A_108] : memref<10240x128xf32, #tpu.memory_space<hbm>> -> memref<10240x128xf32, #tpu.memory_space<hbm>>
        tpu.enqueue_indirect_dma source(%dma_start3A_109 : memref<10240x128xf32, #tpu.memory_space<hbm>>) target(%arg8 : memref<128x128xf32, #tpu.memory_space<vmem>>) offsets(%dma_start3A_106 : memref<128xi32, #tpu.memory_space<vmem>>) semaphore(%arg12 : memref<!tpu.dma_semaphore, #tpu.memory_space<semaphore_mem>>)
      } else {
      }
    }
    %scan3A_21 = arith.constant 10 : i32
    return
  }
}

#map = affine_map<(d0, d1) -> (0, 0)>
#map1 = affine_map<(d0, d1) -> (0, 0, 0)>
module attributes {stable_mosaic.version = 14 : i64} {
  func.func @k(%arg0: i32, %arg1: i32, %arg2: memref<163840x128xf32, #tpu.memory_space<hbm>>, %arg3: memref<1280x128xi32, #tpu.memory_space<hbm>>, %arg4: memref<2x10240x128xf32, #tpu.memory_space<hbm>>, %arg5: memref<40x128xi32, #tpu.memory_space<vmem>>, %arg6: memref<128x128xf32, #tpu.memory_space<vmem>>, %arg7: memref<10240x128xf32, #tpu.memory_space<vmem_shared>>) attributes {dimension_semantics = [#tpu.dimension_semantics<core_parallel>, #tpu.dimension_semantics<subcore_parallel>], iteration_bounds = array<i64: 2, 16>, scalar_prefetch = 0 : i64, scratch_operands = 3 : i64, tpu.core_type = #tpu.core_type<sc_vector_subcore>, window_params = [{transform_indices = #map}, {transform_indices = #map}, {transform_indices = #map1}]} {
    %mul3A = arith.constant 2 : i32
    %mul3A_0 = arith.muli %arg1, %mul3A : i32
    %add3A = arith.addi %mul3A_0, %arg0 : i32
    %mul3A_1 = arith.constant 5120 : i32
    %mul3A_2 = arith.muli %add3A, %mul3A_1 : i32
    %mul3A_3 = arith.constant 40 : i32
    %mul3A_4 = arith.muli %add3A, %mul3A_3 : i32
    "tpu.region"() ({
      %run_scoped3A = tpu.sem_alloc : memref<!tpu.dma_semaphore, #tpu.memory_space<semaphore_mem>>
      %dma_start3A = arith.constant 0 : i32
      %dma_start3A_27 = tpu.memref_slice %arg3[%mul3A_4, %dma_start3A] : memref<1280x128xi32, #tpu.memory_space<hbm>> -> memref<40x128xi32, #tpu.memory_space<hbm>>
      %dma_start3A_28 = arith.constant 0 : i32
      %dma_start3A_29 = tpu.memref_slice %arg3[%mul3A_4, %dma_start3A_28] : memref<1280x128xi32, #tpu.memory_space<hbm>> -> memref<40x128xi32, #tpu.memory_space<hbm>>
      tpu.enqueue_dma source(%dma_start3A_29 : memref<40x128xi32, #tpu.memory_space<hbm>>) target(%arg5 : memref<40x128xi32, #tpu.memory_space<vmem>>) target_semaphore(%run_scoped3A : memref<!tpu.dma_semaphore, #tpu.memory_space<semaphore_mem>>)
      %dma_wait3A = arith.constant 0 : i32
      %dma_wait3A_30 = tpu.memref_slice %arg3[%mul3A_4, %dma_wait3A] : memref<1280x128xi32, #tpu.memory_space<hbm>> -> memref<40x128xi32, #tpu.memory_space<hbm>>
      %dma_wait3A_31 = arith.constant 0 : i32
      %dma_wait3A_32 = tpu.memref_slice %arg3[%mul3A_4, %dma_wait3A_31] : memref<1280x128xi32, #tpu.memory_space<hbm>> -> memref<40x128xi32, #tpu.memory_space<hbm>>
      tpu.wait_dma2 semaphore(%run_scoped3A : memref<!tpu.dma_semaphore, #tpu.memory_space<semaphore_mem>>) src(%dma_wait3A_32 : memref<40x128xi32, #tpu.memory_space<hbm>>) dst(%arg5 : memref<40x128xi32, #tpu.memory_space<vmem>>)
      tpu.yield
    }) : () -> ()
    %scan3A = arith.constant 0 : i32
    %scan3A_5 = arith.constant 0 : i32
    %scan3A_6 = arith.constant 1024 : i32
    %scan3A_7 = arith.addi %scan3A_5, %scan3A_6 : i32
    %scan3A_8 = arith.constant 1 : i32
    scf.for %scan3A_27 = %scan3A_5 to %scan3A_7 step %scan3A_8  : i32 {
      %broadcast_in_dim3A = arith.constant 0.000000e+00 : f32
      %broadcast_in_dim3A_28 = vector.broadcast %broadcast_in_dim3A : f32 to vector<16xf32>
      %jit3A = arith.constant 8 : i32
      %div3A = arith.divsi %scan3A_27, %jit3A : i32
      %sign3A = arith.constant 0 : i32
      %sign3A_29 = arith.cmpi sgt, %scan3A_27, %sign3A : i32
      %sign3A_30 = arith.extui %sign3A_29 : i1 to i32
      %sign3A_31 = arith.constant 0 : i32
      %sign3A_32 = arith.cmpi slt, %scan3A_27, %sign3A_31 : i32
      %sign3A_33 = arith.extui %sign3A_32 : i1 to i32
      %sign3A_34 = arith.subi %sign3A_30, %sign3A_33 : i32
      %sign3A_35 = arith.constant 0 : i32
      %sign3A_36 = arith.cmpi sgt, %jit3A, %sign3A_35 : i32
      %sign3A_37 = arith.extui %sign3A_36 : i1 to i32
      %sign3A_38 = arith.constant 0 : i32
      %sign3A_39 = arith.cmpi slt, %jit3A, %sign3A_38 : i32
      %sign3A_40 = arith.extui %sign3A_39 : i1 to i32
      %sign3A_41 = arith.subi %sign3A_37, %sign3A_40 : i32
      %ne3A = arith.cmpi ne, %sign3A_34, %sign3A_41 : i32
      %rem3A = arith.remsi %scan3A_27, %jit3A : i32
      %ne3A_42 = arith.constant 0 : i32
      %ne3A_43 = arith.cmpi ne, %rem3A, %ne3A_42 : i32
      %and3A = arith.andi %ne3A, %ne3A_43 : i1
      %sub3A = arith.constant 1 : i32
      %sub3A_44 = arith.subi %div3A, %sub3A : i32
      %select_n3A = arith.select %and3A, %sub3A_44, %div3A : i32
      %jit3A_45 = arith.constant 8 : i32
      %eq3A = arith.constant 0 : i32
      %eq3A_46 = arith.cmpi eq, %jit3A_45, %eq3A : i32
      %jit3A_47 = arith.constant 1 : i32
      %select_n3A_48 = arith.select %eq3A_46, %jit3A_47, %jit3A_45 : i32
      %rem3A_49 = arith.remsi %scan3A_27, %select_n3A_48 : i32
      %ne3A_50 = arith.constant 0 : i32
      %ne3A_51 = arith.cmpi ne, %rem3A_49, %ne3A_50 : i32
      %lt3A = arith.constant 0 : i32
      %lt3A_52 = arith.cmpi slt, %rem3A_49, %lt3A : i32
      %lt3A_53 = arith.constant 0 : i32
      %lt3A_54 = arith.cmpi slt, %select_n3A_48, %lt3A_53 : i32
      %ne3A_55 = arith.xori %lt3A_52, %lt3A_54 : i1
      %and3A_56 = arith.andi %ne3A_55, %ne3A_51 : i1
      %add3A_57 = arith.addi %rem3A_49, %select_n3A_48 : i32
      %select_n3A_58 = arith.select %and3A_56, %add3A_57, %rem3A_49 : i32
      %mul3A_59 = arith.constant 16 : i32
      %mul3A_60 = arith.muli %select_n3A_58, %mul3A_59 : i32
      %swap3A = arith.index_cast %select_n3A : i32 to index
      %swap3A_61 = arith.index_cast %mul3A_60 : i32 to index
      %swap3A_62 = tpu.vector_load %arg6[%swap3A, %swap3A_61] {strides = array<i32>} : memref<128x128xf32, #tpu.memory_space<vmem>>, vector<1x16xf32>,
      %swap3A_63 = vector.shape_cast %swap3A_62 : vector<1x16xf32> to vector<16xf32>
      %swap3A_64 = vector.shape_cast %broadcast_in_dim3A_28 : vector<16xf32> to vector<1x16xf32>
      tpu.vector_store %arg6[%swap3A, %swap3A_61], %swap3A_64 {strides = array<i32>} : memref<128x128xf32, #tpu.memory_space<vmem>>, vector<1x16xf32>,
    }
    %scan3A_9 = arith.constant 1024 : i32
    %scan3A_10 = arith.constant 0 : i32
    %scan3A_11 = arith.constant 0 : i32
    %scan3A_12 = arith.constant 5 : i32
    %scan3A_13 = arith.addi %scan3A_11, %scan3A_12 : i32
    %scan3A_14 = arith.constant 1 : i32
    scf.for %scan3A_27 = %scan3A_11 to %scan3A_13 step %scan3A_14  : i32 {
      %mul3A_28 = arith.constant 640 : i32
      %mul3A_29 = arith.muli %arg1, %mul3A_28 : i32
      %mul3A_30 = arith.constant 128 : i32
      %mul3A_31 = arith.muli %scan3A_27, %mul3A_30 : i32
      %add3A_32 = arith.addi %mul3A_29, %mul3A_31 : i32
      "tpu.region"() ({
        %run_scoped3A = tpu.sem_alloc : memref<!tpu.dma_semaphore, #tpu.memory_space<semaphore_mem>>
        %dma_start3A = arith.constant 0 : i32
        %dma_start3A_33 = tpu.memref_slice %arg7[%add3A_32, %dma_start3A] : memref<10240x128xf32, #tpu.memory_space<vmem_shared>> -> memref<128x128xf32, #tpu.memory_space<vmem_shared>>
        %dma_start3A_34 = arith.constant 0 : i32
        %dma_start3A_35 = tpu.memref_slice %arg7[%add3A_32, %dma_start3A_34] : memref<10240x128xf32, #tpu.memory_space<vmem_shared>> -> memref<128x128xf32, #tpu.memory_space<vmem_shared>>
        tpu.enqueue_dma source(%arg6 : memref<128x128xf32, #tpu.memory_space<vmem>>) target(%dma_start3A_35 : memref<128x128xf32, #tpu.memory_space<vmem_shared>>) target_semaphore(%run_scoped3A : memref<!tpu.dma_semaphore, #tpu.memory_space<semaphore_mem>>)
        %dma_wait3A = arith.constant 0 : i32
        %dma_wait3A_36 = tpu.memref_slice %arg7[%add3A_32, %dma_wait3A] : memref<10240x128xf32, #tpu.memory_space<vmem_shared>> -> memref<128x128xf32, #tpu.memory_space<vmem_shared>>
        %dma_wait3A_37 = arith.constant 0 : i32
        %dma_wait3A_38 = tpu.memref_slice %arg7[%add3A_32, %dma_wait3A_37] : memref<10240x128xf32, #tpu.memory_space<vmem_shared>> -> memref<128x128xf32, #tpu.memory_space<vmem_shared>>
        tpu.wait_dma2 semaphore(%run_scoped3A : memref<!tpu.dma_semaphore, #tpu.memory_space<semaphore_mem>>) src(%arg6 : memref<128x128xf32, #tpu.memory_space<vmem>>) dst(%dma_wait3A_38 : memref<128x128xf32, #tpu.memory_space<vmem_shared>>)
        tpu.yield
      }) : () -> ()
    }
    %scan3A_15 = arith.constant 5 : i32
    %barrier3A = arith.constant 0 : index
    tpu.barrier barrier_id(%barrier3A)
    %scan3A_16 = arith.constant 0 : i32
    %scan3A_17 = arith.constant 0 : i32
    %scan3A_18 = arith.constant 40 : i32
    %scan3A_19 = arith.addi %scan3A_17, %scan3A_18 : i32
    %scan3A_20 = arith.constant 1 : i32
    scf.for %scan3A_27 = %scan3A_17 to %scan3A_19 step %scan3A_20  : i32 {
      %mul3A_28 = arith.constant 128 : i32
      %mul3A_29 = arith.muli %scan3A_27, %mul3A_28 : i32
      %add3A_30 = arith.addi %mul3A_2, %mul3A_29 : i32
      "tpu.region"() ({
        %run_scoped3A = tpu.sem_alloc : memref<!tpu.dma_semaphore, #tpu.memory_space<semaphore_mem>>
        %dma_start3A = arith.constant 0 : i32
        %dma_start3A_31 = tpu.memref_slice %arg2[%add3A_30, %dma_start3A] : memref<163840x128xf32, #tpu.memory_space<hbm>> -> memref<128x128xf32, #tpu.memory_space<hbm>>
        %dma_start3A_32 = arith.constant 0 : i32
        %dma_start3A_33 = tpu.memref_slice %arg2[%add3A_30, %dma_start3A_32] : memref<163840x128xf32, #tpu.memory_space<hbm>> -> memref<128x128xf32, #tpu.memory_space<hbm>>
        tpu.enqueue_dma source(%dma_start3A_33 : memref<128x128xf32, #tpu.memory_space<hbm>>) target(%arg6 : memref<128x128xf32, #tpu.memory_space<vmem>>) target_semaphore(%run_scoped3A : memref<!tpu.dma_semaphore, #tpu.memory_space<semaphore_mem>>)
        %dma_wait3A = arith.constant 0 : i32
        %dma_wait3A_34 = tpu.memref_slice %arg2[%add3A_30, %dma_wait3A] : memref<163840x128xf32, #tpu.memory_space<hbm>> -> memref<128x128xf32, #tpu.memory_space<hbm>>
        %dma_wait3A_35 = arith.constant 0 : i32
        %dma_wait3A_36 = tpu.memref_slice %arg2[%add3A_30, %dma_wait3A_35] : memref<163840x128xf32, #tpu.memory_space<hbm>> -> memref<128x128xf32, #tpu.memory_space<hbm>>
        tpu.wait_dma2 semaphore(%run_scoped3A : memref<!tpu.dma_semaphore, #tpu.memory_space<semaphore_mem>>) src(%dma_wait3A_36 : memref<128x128xf32, #tpu.memory_space<hbm>>) dst(%arg6 : memref<128x128xf32, #tpu.memory_space<vmem>>)
        tpu.yield
      }) : () -> ()
      "tpu.region"() ({
        %run_scoped3A = tpu.sem_alloc : memref<!tpu.dma_semaphore, #tpu.memory_space<semaphore_mem>>
        %dma_start3A = arith.constant 0 : i32
        %dma_start3A_31 = tpu.memref_slice %arg5[%scan3A_27, %dma_start3A] : memref<40x128xi32, #tpu.memory_space<vmem>> -> memref<1x128xi32, #tpu.memory_space<vmem>>
        %dma_start3A_32 = tpu.memref_squeeze %dma_start3A_31 : memref<1x128xi32, #tpu.memory_space<vmem>> -> memref<128xi32, #tpu.memory_space<vmem>>
        %dma_start3A_33 = arith.constant 0 : i32
        %dma_start3A_34 = arith.constant 0 : i32
        %dma_start3A_35 = tpu.memref_slice %arg7[%dma_start3A_33, %dma_start3A_34] : memref<10240x128xf32, #tpu.memory_space<vmem_shared>> -> memref<10240x128xf32, #tpu.memory_space<vmem_shared>>
        tpu.enqueue_indirect_dma source(%arg6 : memref<128x128xf32, #tpu.memory_space<vmem>>) target(%dma_start3A_35 : memref<10240x128xf32, #tpu.memory_space<vmem_shared>>) offsets(%dma_start3A_32 : memref<128xi32, #tpu.memory_space<vmem>>) semaphore(%run_scoped3A : memref<!tpu.dma_semaphore, #tpu.memory_space<semaphore_mem>>) {add = true}
        %dma_wait3A = arith.constant 0 : i32
        %dma_wait3A_36 = tpu.memref_slice %arg5[%scan3A_27, %dma_wait3A] : memref<40x128xi32, #tpu.memory_space<vmem>> -> memref<1x128xi32, #tpu.memory_space<vmem>>
        %dma_wait3A_37 = tpu.memref_squeeze %dma_wait3A_36 : memref<1x128xi32, #tpu.memory_space<vmem>> -> memref<128xi32, #tpu.memory_space<vmem>>
        %dma_wait3A_38 = arith.constant 0 : i32
        %dma_wait3A_39 = arith.constant 0 : i32
        %dma_wait3A_40 = tpu.memref_slice %arg7[%dma_wait3A_38, %dma_wait3A_39] : memref<10240x128xf32, #tpu.memory_space<vmem_shared>> -> memref<10240x128xf32, #tpu.memory_space<vmem_shared>>
        tpu.wait_indirect_dma semaphore(%run_scoped3A : memref<!tpu.dma_semaphore, #tpu.memory_space<semaphore_mem>>) src(%arg6 : memref<128x128xf32, #tpu.memory_space<vmem>>) dst(%dma_wait3A_40 : memref<10240x128xf32, #tpu.memory_space<vmem_shared>>)
        tpu.yield
      }) : () -> ()
    }
    %scan3A_21 = arith.constant 40 : i32
    %barrier3A_22 = arith.constant 0 : index
    tpu.barrier barrier_id(%barrier3A_22)
    %mul3A_23 = arith.constant 640 : i32
    %mul3A_24 = arith.muli %arg1, %mul3A_23 : i32
    %mul3A_25 = arith.constant 640 : i32
    %mul3A_26 = arith.muli %arg1, %mul3A_25 : i32
    "tpu.region"() ({
      %run_scoped3A = tpu.sem_alloc : memref<!tpu.dma_semaphore, #tpu.memory_space<semaphore_mem>>
      %dma_start3A = arith.constant 0 : i32
      %dma_start3A_27 = tpu.memref_slice %arg4[%arg0, %mul3A_26, %dma_start3A] : memref<2x10240x128xf32, #tpu.memory_space<hbm>> -> memref<1x640x128xf32, #tpu.memory_space<hbm>>
      %dma_start3A_28 = tpu.memref_squeeze %dma_start3A_27 : memref<1x640x128xf32, #tpu.memory_space<hbm>> -> memref<640x128xf32, #tpu.memory_space<hbm>>
      %dma_start3A_29 = arith.constant 0 : i32
      %dma_start3A_30 = tpu.memref_slice %arg7[%mul3A_24, %dma_start3A_29] : memref<10240x128xf32, #tpu.memory_space<vmem_shared>> -> memref<640x128xf32, #tpu.memory_space<vmem_shared>>
      tpu.enqueue_dma source(%dma_start3A_30 : memref<640x128xf32, #tpu.memory_space<vmem_shared>>) target(%dma_start3A_28 : memref<640x128xf32, #tpu.memory_space<hbm>>) target_semaphore(%run_scoped3A : memref<!tpu.dma_semaphore, #tpu.memory_space<semaphore_mem>>)
      %dma_wait3A = arith.constant 0 : i32
      %dma_wait3A_31 = tpu.memref_slice %arg4[%arg0, %mul3A_26, %dma_wait3A] : memref<2x10240x128xf32, #tpu.memory_space<hbm>> -> memref<1x640x128xf32, #tpu.memory_space<hbm>>
      %dma_wait3A_32 = tpu.memref_squeeze %dma_wait3A_31 : memref<1x640x128xf32, #tpu.memory_space<hbm>> -> memref<640x128xf32, #tpu.memory_space<hbm>>
      %dma_wait3A_33 = arith.constant 0 : i32
      %dma_wait3A_34 = tpu.memref_slice %arg7[%mul3A_24, %dma_wait3A_33] : memref<10240x128xf32, #tpu.memory_space<vmem_shared>> -> memref<640x128xf32, #tpu.memory_space<vmem_shared>>
      tpu.wait_dma2 semaphore(%run_scoped3A : memref<!tpu.dma_semaphore, #tpu.memory_space<semaphore_mem>>) src(%dma_wait3A_34 : memref<640x128xf32, #tpu.memory_space<vmem_shared>>) dst(%dma_wait3A_32 : memref<640x128xf32, #tpu.memory_space<hbm>>)
      tpu.yield
    }) : () -> ()
    return
  }
}

#map = affine_map<(d0, d1) -> (0, 0)>
#map1 = affine_map<(d0, d1) -> (0, 0, 0)>
module attributes {stable_mosaic.version = 14 : i64} {
  func.func @k(%arg0: i32, %arg1: i32, %arg2: memref<163840x128xf32, #tpu.memory_space<hbm>>, %arg3: memref<1280x128xi32, #tpu.memory_space<hbm>>, %arg4: memref<2x10240x128xf32, #tpu.memory_space<hbm>>, %arg5: memref<40x128xi32, #tpu.memory_space<vmem>>, %arg6: memref<128x128xf32, #tpu.memory_space<vmem>>, %arg7: memref<10240x128xf32, #tpu.memory_space<vmem_shared>>) attributes {dimension_semantics = [#tpu.dimension_semantics<core_parallel>, #tpu.dimension_semantics<subcore_parallel>], iteration_bounds = array<i64: 2, 16>, scalar_prefetch = 0 : i64, scratch_operands = 3 : i64, tpu.core_type = #tpu.core_type<sc_vector_subcore>, window_params = [{transform_indices = #map}, {transform_indices = #map}, {transform_indices = #map1}]} {
    %mul3A = arith.constant 2 : i32
    %mul3A_0 = arith.muli %arg1, %mul3A : i32
    %add3A = arith.addi %mul3A_0, %arg0 : i32
    %mul3A_1 = arith.constant 5120 : i32
    %mul3A_2 = arith.muli %add3A, %mul3A_1 : i32
    %mul3A_3 = arith.constant 40 : i32
    %mul3A_4 = arith.muli %add3A, %mul3A_3 : i32
    "tpu.region"() ({
      %run_scoped3A = tpu.sem_alloc : memref<!tpu.dma_semaphore, #tpu.memory_space<semaphore_mem>>
      %dma_start3A = arith.constant 0 : i32
      %dma_start3A_27 = tpu.memref_slice %arg3[%mul3A_4, %dma_start3A] : memref<1280x128xi32, #tpu.memory_space<hbm>> -> memref<40x128xi32, #tpu.memory_space<hbm>>
      %dma_start3A_28 = arith.constant 0 : i32
      %dma_start3A_29 = tpu.memref_slice %arg3[%mul3A_4, %dma_start3A_28] : memref<1280x128xi32, #tpu.memory_space<hbm>> -> memref<40x128xi32, #tpu.memory_space<hbm>>
      tpu.enqueue_dma source(%dma_start3A_29 : memref<40x128xi32, #tpu.memory_space<hbm>>) target(%arg5 : memref<40x128xi32, #tpu.memory_space<vmem>>) target_semaphore(%run_scoped3A : memref<!tpu.dma_semaphore, #tpu.memory_space<semaphore_mem>>)
      %dma_wait3A = arith.constant 0 : i32
      %dma_wait3A_30 = tpu.memref_slice %arg3[%mul3A_4, %dma_wait3A] : memref<1280x128xi32, #tpu.memory_space<hbm>> -> memref<40x128xi32, #tpu.memory_space<hbm>>
      %dma_wait3A_31 = arith.constant 0 : i32
      %dma_wait3A_32 = tpu.memref_slice %arg3[%mul3A_4, %dma_wait3A_31] : memref<1280x128xi32, #tpu.memory_space<hbm>> -> memref<40x128xi32, #tpu.memory_space<hbm>>
      tpu.wait_dma2 semaphore(%run_scoped3A : memref<!tpu.dma_semaphore, #tpu.memory_space<semaphore_mem>>) src(%dma_wait3A_32 : memref<40x128xi32, #tpu.memory_space<hbm>>) dst(%arg5 : memref<40x128xi32, #tpu.memory_space<vmem>>)
      tpu.yield
    }) : () -> ()
    %scan3A = arith.constant 0 : i32
    %scan3A_5 = arith.constant 0 : i32
    %scan3A_6 = arith.constant 1024 : i32
    %scan3A_7 = arith.addi %scan3A_5, %scan3A_6 : i32
    %scan3A_8 = arith.constant 1 : i32
    scf.for %scan3A_27 = %scan3A_5 to %scan3A_7 step %scan3A_8  : i32 {
      %broadcast_in_dim3A = arith.constant 0.000000e+00 : f32
      %broadcast_in_dim3A_28 = vector.broadcast %broadcast_in_dim3A : f32 to vector<16xf32>
      %jit3A = arith.constant 8 : i32
      %div3A = arith.divsi %scan3A_27, %jit3A : i32
      %sign3A = arith.constant 0 : i32
      %sign3A_29 = arith.cmpi sgt, %scan3A_27, %sign3A : i32
      %sign3A_30 = arith.extui %sign3A_29 : i1 to i32
      %sign3A_31 = arith.constant 0 : i32
      %sign3A_32 = arith.cmpi slt, %scan3A_27, %sign3A_31 : i32
      %sign3A_33 = arith.extui %sign3A_32 : i1 to i32
      %sign3A_34 = arith.subi %sign3A_30, %sign3A_33 : i32
      %sign3A_35 = arith.constant 0 : i32
      %sign3A_36 = arith.cmpi sgt, %jit3A, %sign3A_35 : i32
      %sign3A_37 = arith.extui %sign3A_36 : i1 to i32
      %sign3A_38 = arith.constant 0 : i32
      %sign3A_39 = arith.cmpi slt, %jit3A, %sign3A_38 : i32
      %sign3A_40 = arith.extui %sign3A_39 : i1 to i32
      %sign3A_41 = arith.subi %sign3A_37, %sign3A_40 : i32
      %ne3A = arith.cmpi ne, %sign3A_34, %sign3A_41 : i32
      %rem3A = arith.remsi %scan3A_27, %jit3A : i32
      %ne3A_42 = arith.constant 0 : i32
      %ne3A_43 = arith.cmpi ne, %rem3A, %ne3A_42 : i32
      %and3A = arith.andi %ne3A, %ne3A_43 : i1
      %sub3A = arith.constant 1 : i32
      %sub3A_44 = arith.subi %div3A, %sub3A : i32
      %select_n3A = arith.select %and3A, %sub3A_44, %div3A : i32
      %jit3A_45 = arith.constant 8 : i32
      %eq3A = arith.constant 0 : i32
      %eq3A_46 = arith.cmpi eq, %jit3A_45, %eq3A : i32
      %jit3A_47 = arith.constant 1 : i32
      %select_n3A_48 = arith.select %eq3A_46, %jit3A_47, %jit3A_45 : i32
      %rem3A_49 = arith.remsi %scan3A_27, %select_n3A_48 : i32
      %ne3A_50 = arith.constant 0 : i32
      %ne3A_51 = arith.cmpi ne, %rem3A_49, %ne3A_50 : i32
      %lt3A = arith.constant 0 : i32
      %lt3A_52 = arith.cmpi slt, %rem3A_49, %lt3A : i32
      %lt3A_53 = arith.constant 0 : i32
      %lt3A_54 = arith.cmpi slt, %select_n3A_48, %lt3A_53 : i32
      %ne3A_55 = arith.xori %lt3A_52, %lt3A_54 : i1
      %and3A_56 = arith.andi %ne3A_55, %ne3A_51 : i1
      %add3A_57 = arith.addi %rem3A_49, %select_n3A_48 : i32
      %select_n3A_58 = arith.select %and3A_56, %add3A_57, %rem3A_49 : i32
      %mul3A_59 = arith.constant 16 : i32
      %mul3A_60 = arith.muli %select_n3A_58, %mul3A_59 : i32
      %swap3A = arith.index_cast %select_n3A : i32 to index
      %swap3A_61 = arith.index_cast %mul3A_60 : i32 to index
      %swap3A_62 = tpu.vector_load %arg6[%swap3A, %swap3A_61] {strides = array<i32>} : memref<128x128xf32, #tpu.memory_space<vmem>>, vector<1x16xf32>,
      %swap3A_63 = vector.shape_cast %swap3A_62 : vector<1x16xf32> to vector<16xf32>
      %swap3A_64 = vector.shape_cast %broadcast_in_dim3A_28 : vector<16xf32> to vector<1x16xf32>
      tpu.vector_store %arg6[%swap3A, %swap3A_61], %swap3A_64 {strides = array<i32>} : memref<128x128xf32, #tpu.memory_space<vmem>>, vector<1x16xf32>,
    }
    %scan3A_9 = arith.constant 1024 : i32
    %scan3A_10 = arith.constant 0 : i32
    %scan3A_11 = arith.constant 0 : i32
    %scan3A_12 = arith.constant 5 : i32
    %scan3A_13 = arith.addi %scan3A_11, %scan3A_12 : i32
    %scan3A_14 = arith.constant 1 : i32
    scf.for %scan3A_27 = %scan3A_11 to %scan3A_13 step %scan3A_14  : i32 {
      %mul3A_28 = arith.constant 640 : i32
      %mul3A_29 = arith.muli %arg1, %mul3A_28 : i32
      %mul3A_30 = arith.constant 128 : i32
      %mul3A_31 = arith.muli %scan3A_27, %mul3A_30 : i32
      %add3A_32 = arith.addi %mul3A_29, %mul3A_31 : i32
      "tpu.region"() ({
        %run_scoped3A = tpu.sem_alloc : memref<!tpu.dma_semaphore, #tpu.memory_space<semaphore_mem>>
        %dma_start3A = arith.constant 0 : i32
        %dma_start3A_33 = tpu.memref_slice %arg7[%add3A_32, %dma_start3A] : memref<10240x128xf32, #tpu.memory_space<vmem_shared>> -> memref<128x128xf32, #tpu.memory_space<vmem_shared>>
        %dma_start3A_34 = arith.constant 0 : i32
        %dma_start3A_35 = tpu.memref_slice %arg7[%add3A_32, %dma_start3A_34] : memref<10240x128xf32, #tpu.memory_space<vmem_shared>> -> memref<128x128xf32, #tpu.memory_space<vmem_shared>>
        tpu.enqueue_dma source(%arg6 : memref<128x128xf32, #tpu.memory_space<vmem>>) target(%dma_start3A_35 : memref<128x128xf32, #tpu.memory_space<vmem_shared>>) target_semaphore(%run_scoped3A : memref<!tpu.dma_semaphore, #tpu.memory_space<semaphore_mem>>)
        %dma_wait3A = arith.constant 0 : i32
        %dma_wait3A_36 = tpu.memref_slice %arg7[%add3A_32, %dma_wait3A] : memref<10240x128xf32, #tpu.memory_space<vmem_shared>> -> memref<128x128xf32, #tpu.memory_space<vmem_shared>>
        %dma_wait3A_37 = arith.constant 0 : i32
        %dma_wait3A_38 = tpu.memref_slice %arg7[%add3A_32, %dma_wait3A_37] : memref<10240x128xf32, #tpu.memory_space<vmem_shared>> -> memref<128x128xf32, #tpu.memory_space<vmem_shared>>
        tpu.wait_dma2 semaphore(%run_scoped3A : memref<!tpu.dma_semaphore, #tpu.memory_space<semaphore_mem>>) src(%arg6 : memref<128x128xf32, #tpu.memory_space<vmem>>) dst(%dma_wait3A_38 : memref<128x128xf32, #tpu.memory_space<vmem_shared>>)
        tpu.yield
      }) : () -> ()
    }
    %scan3A_15 = arith.constant 5 : i32
    %barrier3A = arith.constant 0 : index
    tpu.barrier barrier_id(%barrier3A)
    %scan3A_16 = arith.constant 0 : i32
    %scan3A_17 = arith.constant 0 : i32
    %scan3A_18 = arith.constant 40 : i32
    %scan3A_19 = arith.addi %scan3A_17, %scan3A_18 : i32
    %scan3A_20 = arith.constant 1 : i32
    scf.for %scan3A_27 = %scan3A_17 to %scan3A_19 step %scan3A_20  : i32 {
      %mul3A_28 = arith.constant 128 : i32
      %mul3A_29 = arith.muli %scan3A_27, %mul3A_28 : i32
      %add3A_30 = arith.addi %mul3A_2, %mul3A_29 : i32
      "tpu.region"() ({
        %run_scoped3A = tpu.sem_alloc : memref<!tpu.dma_semaphore, #tpu.memory_space<semaphore_mem>>
        %dma_start3A = arith.constant 0 : i32
        %dma_start3A_31 = tpu.memref_slice %arg2[%add3A_30, %dma_start3A] : memref<163840x128xf32, #tpu.memory_space<hbm>> -> memref<128x128xf32, #tpu.memory_space<hbm>>
        %dma_start3A_32 = arith.constant 0 : i32
        %dma_start3A_33 = tpu.memref_slice %arg2[%add3A_30, %dma_start3A_32] : memref<163840x128xf32, #tpu.memory_space<hbm>> -> memref<128x128xf32, #tpu.memory_space<hbm>>
        tpu.enqueue_dma source(%dma_start3A_33 : memref<128x128xf32, #tpu.memory_space<hbm>>) target(%arg6 : memref<128x128xf32, #tpu.memory_space<vmem>>) target_semaphore(%run_scoped3A : memref<!tpu.dma_semaphore, #tpu.memory_space<semaphore_mem>>)
        %dma_wait3A = arith.constant 0 : i32
        %dma_wait3A_34 = tpu.memref_slice %arg2[%add3A_30, %dma_wait3A] : memref<163840x128xf32, #tpu.memory_space<hbm>> -> memref<128x128xf32, #tpu.memory_space<hbm>>
        %dma_wait3A_35 = arith.constant 0 : i32
        %dma_wait3A_36 = tpu.memref_slice %arg2[%add3A_30, %dma_wait3A_35] : memref<163840x128xf32, #tpu.memory_space<hbm>> -> memref<128x128xf32, #tpu.memory_space<hbm>>
        tpu.wait_dma2 semaphore(%run_scoped3A : memref<!tpu.dma_semaphore, #tpu.memory_space<semaphore_mem>>) src(%dma_wait3A_36 : memref<128x128xf32, #tpu.memory_space<hbm>>) dst(%arg6 : memref<128x128xf32, #tpu.memory_space<vmem>>)
        tpu.yield
      }) : () -> ()
      "tpu.region"() ({
        %run_scoped3A = tpu.sem_alloc : memref<!tpu.dma_semaphore, #tpu.memory_space<semaphore_mem>>
        %dma_start3A = arith.constant 0 : i32
        %dma_start3A_31 = tpu.memref_slice %arg5[%scan3A_27, %dma_start3A] : memref<40x128xi32, #tpu.memory_space<vmem>> -> memref<1x128xi32, #tpu.memory_space<vmem>>
        %dma_start3A_32 = tpu.memref_squeeze %dma_start3A_31 : memref<1x128xi32, #tpu.memory_space<vmem>> -> memref<128xi32, #tpu.memory_space<vmem>>
        %dma_start3A_33 = arith.constant 0 : i32
        %dma_start3A_34 = arith.constant 0 : i32
        %dma_start3A_35 = tpu.memref_slice %arg7[%dma_start3A_33, %dma_start3A_34] : memref<10240x128xf32, #tpu.memory_space<vmem_shared>> -> memref<10240x128xf32, #tpu.memory_space<vmem_shared>>
        tpu.enqueue_indirect_dma source(%arg6 : memref<128x128xf32, #tpu.memory_space<vmem>>) target(%dma_start3A_35 : memref<10240x128xf32, #tpu.memory_space<vmem_shared>>) offsets(%dma_start3A_32 : memref<128xi32, #tpu.memory_space<vmem>>) semaphore(%run_scoped3A : memref<!tpu.dma_semaphore, #tpu.memory_space<semaphore_mem>>) {add = true}
        %dma_wait3A = arith.constant 0 : i32
        %dma_wait3A_36 = tpu.memref_slice %arg5[%scan3A_27, %dma_wait3A] : memref<40x128xi32, #tpu.memory_space<vmem>> -> memref<1x128xi32, #tpu.memory_space<vmem>>
        %dma_wait3A_37 = tpu.memref_squeeze %dma_wait3A_36 : memref<1x128xi32, #tpu.memory_space<vmem>> -> memref<128xi32, #tpu.memory_space<vmem>>
        %dma_wait3A_38 = arith.constant 0 : i32
        %dma_wait3A_39 = arith.constant 0 : i32
        %dma_wait3A_40 = tpu.memref_slice %arg7[%dma_wait3A_38, %dma_wait3A_39] : memref<10240x128xf32, #tpu.memory_space<vmem_shared>> -> memref<10240x128xf32, #tpu.memory_space<vmem_shared>>
        tpu.wait_indirect_dma semaphore(%run_scoped3A : memref<!tpu.dma_semaphore, #tpu.memory_space<semaphore_mem>>) src(%arg6 : memref<128x128xf32, #tpu.memory_space<vmem>>) dst(%dma_wait3A_40 : memref<10240x128xf32, #tpu.memory_space<vmem_shared>>)
        tpu.yield
      }) : () -> ()
    }
    %scan3A_21 = arith.constant 40 : i32
    %barrier3A_22 = arith.constant 0 : index
    tpu.barrier barrier_id(%barrier3A_22)
    %mul3A_23 = arith.constant 640 : i32
    %mul3A_24 = arith.muli %arg1, %mul3A_23 : i32
    %mul3A_25 = arith.constant 640 : i32
    %mul3A_26 = arith.muli %arg1, %mul3A_25 : i32
    "tpu.region"() ({
      %run_scoped3A = tpu.sem_alloc : memref<!tpu.dma_semaphore, #tpu.memory_space<semaphore_mem>>
      %dma_start3A = arith.constant 0 : i32
      %dma_start3A_27 = tpu.memref_slice %arg4[%arg0, %mul3A_26, %dma_start3A] : memref<2x10240x128xf32, #tpu.memory_space<hbm>> -> memref<1x640x128xf32, #tpu.memory_space<hbm>>
      %dma_start3A_28 = tpu.memref_squeeze %dma_start3A_27 : memref<1x640x128xf32, #tpu.memory_space<hbm>> -> memref<640x128xf32, #tpu.memory_space<hbm>>
      %dma_start3A_29 = arith.constant 0 : i32
      %dma_start3A_30 = tpu.memref_slice %arg7[%mul3A_24, %dma_start3A_29] : memref<10240x128xf32, #tpu.memory_space<vmem_shared>> -> memref<640x128xf32, #tpu.memory_space<vmem_shared>>
      tpu.enqueue_dma source(%dma_start3A_30 : memref<640x128xf32, #tpu.memory_space<vmem_shared>>) target(%dma_start3A_28 : memref<640x128xf32, #tpu.memory_space<hbm>>) target_semaphore(%run_scoped3A : memref<!tpu.dma_semaphore, #tpu.memory_space<semaphore_mem>>)
      %dma_wait3A = arith.constant 0 : i32
      %dma_wait3A_31 = tpu.memref_slice %arg4[%arg0, %mul3A_26, %dma_wait3A] : memref<2x10240x128xf32, #tpu.memory_space<hbm>> -> memref<1x640x128xf32, #tpu.memory_space<hbm>>
      %dma_wait3A_32 = tpu.memref_squeeze %dma_wait3A_31 : memref<1x640x128xf32, #tpu.memory_space<hbm>> -> memref<640x128xf32, #tpu.memory_space<hbm>>
      %dma_wait3A_33 = arith.constant 0 : i32
      %dma_wait3A_34 = tpu.memref_slice %arg7[%mul3A_24, %dma_wait3A_33] : memref<10240x128xf32, #tpu.memory_space<vmem_shared>> -> memref<640x128xf32, #tpu.memory_space<vmem_shared>>
      tpu.wait_dma2 semaphore(%run_scoped3A : memref<!tpu.dma_semaphore, #tpu.memory_space<semaphore_mem>>) src(%dma_wait3A_34 : memref<640x128xf32, #tpu.memory_space<vmem_shared>>) dst(%dma_wait3A_32 : memref<640x128xf32, #tpu.memory_space<hbm>>)
      tpu.yield
    }) : () -> ()
    return
  }
}

module attributes {stable_mosaic.version = 14 : i64} {
  func.func @_edge_body(%arg0: i32, %arg1: memref<1024x4xf32, #tpu.memory_space<vmem>>, %arg2: memref<1024x128xf32, #tpu.memory_space<vmem>>, %arg3: memref<4x32xf32, #tpu.memory_space<vmem>>, %arg4: memref<1x32xf32, #tpu.memory_space<vmem>>, %arg5: memref<128x272xf32, #tpu.memory_space<vmem>>, %arg6: memref<32x272xf32, #tpu.memory_space<vmem>>, %arg7: memref<1x272xf32, #tpu.memory_space<vmem>>, %arg8: memref<272x16xf32, #tpu.memory_space<vmem>>, %arg9: memref<1024x128xf32, #tpu.memory_space<vmem>>) attributes {dimension_semantics = [#tpu.dimension_semantics<arbitrary>], iteration_bounds = array<i64: 160>, scalar_prefetch = 0 : i64, scratch_operands = 0 : i64, tpu.core_type = #tpu.core_type<tc>, window_params = [{transform_indices = @transform_0, window_bounds = array<i64: 1024, 4>}, {transform_indices = @transform_1, window_bounds = array<i64: 1024, 128>}, {pipeline_mode = #tpu.pipeline_mode<synchronous>, transform_indices = @transform_2, window_bounds = array<i64: 4, 32>}, {pipeline_mode = #tpu.pipeline_mode<synchronous>, transform_indices = @transform_3, window_bounds = array<i64: 1, 32>}, {pipeline_mode = #tpu.pipeline_mode<synchronous>, transform_indices = @transform_4, window_bounds = array<i64: 128, 272>}, {pipeline_mode = #tpu.pipeline_mode<synchronous>, transform_indices = @transform_5, window_bounds = array<i64: 32, 272>}, {pipeline_mode = #tpu.pipeline_mode<synchronous>, transform_indices = @transform_6, window_bounds = array<i64: 1, 272>}, {pipeline_mode = #tpu.pipeline_mode<synchronous>, transform_indices = @transform_7, window_bounds = array<i64: 272, 16>}, {transform_indices = @transform_8, window_bounds = array<i64: 1024, 128>}]} {
    %get3A = arith.constant 0 : index
    %get3A_0 = arith.constant 0 : index
    %get3A_1 = vector.load %arg1[%get3A, %get3A_0] : memref<1024x4xf32, #tpu.memory_space<vmem>>, vector<1024x4xf32>
    %get3A_2 = arith.constant 0 : index
    %get3A_3 = arith.constant 0 : index
    %get3A_4 = vector.load %arg3[%get3A_2, %get3A_3] : memref<4x32xf32, #tpu.memory_space<vmem>>, vector<4x32xf32>
    %dot_general3A = arith.constant dense<0.000000e+00> : vector<1024x32xf32>
    %dot_general3A_5 = tpu.matmul %get3A_1, %get3A_4, %dot_general3A {dimension_numbers = #tpu.dot_dimension_numbers<[1], [0], [0], [1], [0, 0, 1, 1], [], []>, transpose_lhs_hint = false} : vector<1024x4xf32>, vector<4x32xf32>, vector<1024x32xf32> -> vector<1024x32xf32>
    %get3A_6 = arith.constant 0 : index
    %get3A_7 = arith.constant 0 : index
    %get3A_8 = vector.load %arg4[%get3A_6, %get3A_7] : memref<1x32xf32, #tpu.memory_space<vmem>>, vector<1x32xf32>
    %add3A = vector.broadcast %get3A_8 : vector<1x32xf32> to vector<1024x32xf32>
    %add3A_9 = arith.addf %dot_general3A_5, %add3A : vector<1024x32xf32>
    %gt3A = arith.constant 0.000000e+00 : f32
    %gt3A_10 = vector.broadcast %gt3A : f32 to vector<1024x32xf32>
    %gt3A_11 = arith.cmpf ogt, %add3A_9, %gt3A_10 : vector<1024x32xf32>
    %mul3A = arith.constant 0.00999999977 : f32
    %mul3A_12 = vector.broadcast %mul3A : f32 to vector<1024x32xf32>
    %mul3A_13 = arith.mulf %mul3A_12, %add3A_9 : vector<1024x32xf32>
    %select_n3A = arith.select %gt3A_11, %add3A_9, %mul3A_13 : vector<1024x32xi1>, vector<1024x32xf32>
    %get3A_14 = arith.constant 0 : index
    %get3A_15 = arith.constant 0 : index
    %get3A_16 = vector.load %arg6[%get3A_14, %get3A_15] : memref<32x272xf32, #tpu.memory_space<vmem>>, vector<32x272xf32>
    %dot_general3A_17 = arith.constant dense<0.000000e+00> : vector<1024x272xf32>
    %dot_general3A_18 = tpu.matmul %select_n3A, %get3A_16, %dot_general3A_17 {dimension_numbers = #tpu.dot_dimension_numbers<[1], [0], [0], [1], [0, 0, 1, 1], [], []>, transpose_lhs_hint = false} : vector<1024x32xf32>, vector<32x272xf32>, vector<1024x272xf32> -> vector<1024x272xf32>
    %get3A_19 = arith.constant 0 : index
    %get3A_20 = arith.constant 0 : index
    %get3A_21 = vector.load %arg7[%get3A_19, %get3A_20] : memref<1x272xf32, #tpu.memory_space<vmem>>, vector<1x272xf32>
    %add3A_22 = vector.broadcast %get3A_21 : vector<1x272xf32> to vector<1024x272xf32>
    %add3A_23 = arith.addf %dot_general3A_18, %add3A_22 : vector<1024x272xf32>
    %get3A_24 = arith.constant 0 : index
    %get3A_25 = arith.constant 0 : index
    %get3A_26 = vector.load %arg2[%get3A_24, %get3A_25] : memref<1024x128xf32, #tpu.memory_space<vmem>>, vector<1024x128xf32>
    %get3A_27 = arith.constant 0 : index
    %get3A_28 = arith.constant 0 : index
    %get3A_29 = vector.load %arg5[%get3A_27, %get3A_28] : memref<128x272xf32, #tpu.memory_space<vmem>>, vector<128x272xf32>
    %dot_general3A_30 = arith.constant dense<0.000000e+00> : vector<1024x272xf32>
    %dot_general3A_31 = tpu.matmul %get3A_26, %get3A_29, %dot_general3A_30 {dimension_numbers = #tpu.dot_dimension_numbers<[1], [0], [0], [1], [0, 0, 1, 1], [], []>, transpose_lhs_hint = false} : vector<1024x128xf32>, vector<128x272xf32>, vector<1024x272xf32> -> vector<1024x272xf32>
    %mul3A_32 = arith.mulf %add3A_23, %dot_general3A_31 : vector<1024x272xf32>
    %get3A_33 = arith.constant 0 : index
    %get3A_34 = arith.constant 0 : index
    %get3A_35 = vector.load %arg8[%get3A_33, %get3A_34] : memref<272x16xf32, #tpu.memory_space<vmem>>, vector<272x16xf32>
    %dot_general3A_36 = arith.constant dense<0.000000e+00> : vector<1024x16xf32>
    %dot_general3A_37 = tpu.matmul %mul3A_32, %get3A_35, %dot_general3A_36 {dimension_numbers = #tpu.dot_dimension_numbers<[1], [0], [0], [1], [0, 0, 1, 1], [], []>, transpose_lhs_hint = false} : vector<1024x272xf32>, vector<272x16xf32>, vector<1024x16xf32> -> vector<1024x16xf32>
    %jit3A = arith.constant 0 : i32
    %convert_element_type3A = arith.sitofp %jit3A : i32 to f32
    %pad3A = vector.broadcast %convert_element_type3A : f32 to vector<1024x112xf32>
    %pad3A_38 = tpu.concatenate %dot_general3A_37, %pad3A in 1 : vector<1024x16xf32>, vector<1024x112xf32> -> vector<1024x128xf32>
    %swap3A = arith.constant 0 : index
    %swap3A_39 = arith.constant 0 : index
    %swap3A_40 = vector.load %arg9[%swap3A, %swap3A_39] : memref<1024x128xf32, #tpu.memory_space<vmem>>, vector<1024x128xf32>
    tpu.vector_store %arg9[%swap3A, %swap3A_39], %pad3A_38 {strides = array<i32>} : memref<1024x128xf32, #tpu.memory_space<vmem>>, vector<1024x128xf32>,
    return
  }
  func.func @transform_0(%arg0: i32) -> (i32, i32) {
    %c0_i32 = arith.constant 0 : i32
    %c0_i32_0 = arith.constant 0 : i32
    return %arg0, %c0_i32 : i32, i32
  }
  func.func @transform_1(%arg0: i32) -> (i32, i32) {
    %c0_i32 = arith.constant 0 : i32
    %c0_i32_0 = arith.constant 0 : i32
    return %arg0, %c0_i32 : i32, i32
  }
  func.func @transform_2(%arg0: i32) -> (i32, i32) {
    %c0_i32 = arith.constant 0 : i32
    %c0_i32_0 = arith.constant 0 : i32
    %c0_i32_1 = arith.constant 0 : i32
    return %c0_i32, %c0_i32_0 : i32, i32
  }
  func.func @transform_3(%arg0: i32) -> (i32, i32) {
    %c0_i32 = arith.constant 0 : i32
    %c0_i32_0 = arith.constant 0 : i32
    %c0_i32_1 = arith.constant 0 : i32
    return %c0_i32, %c0_i32_0 : i32, i32
  }
  func.func @transform_4(%arg0: i32) -> (i32, i32) {
    %c0_i32 = arith.constant 0 : i32
    %c0_i32_0 = arith.constant 0 : i32
    %c0_i32_1 = arith.constant 0 : i32
    return %c0_i32, %c0_i32_0 : i32, i32
  }
  func.func @transform_5(%arg0: i32) -> (i32, i32) {
    %c0_i32 = arith.constant 0 : i32
    %c0_i32_0 = arith.constant 0 : i32
    %c0_i32_1 = arith.constant 0 : i32
    return %c0_i32, %c0_i32_0 : i32, i32
  }
  func.func @transform_6(%arg0: i32) -> (i32, i32) {
    %c0_i32 = arith.constant 0 : i32
    %c0_i32_0 = arith.constant 0 : i32
    %c0_i32_1 = arith.constant 0 : i32
    return %c0_i32, %c0_i32_0 : i32, i32
  }
  func.func @transform_7(%arg0: i32) -> (i32, i32) {
    %c0_i32 = arith.constant 0 : i32
    %c0_i32_0 = arith.constant 0 : i32
    %c0_i32_1 = arith.constant 0 : i32
    return %c0_i32, %c0_i32_0 : i32, i32
  }
  func.func @transform_8(%arg0: i32) -> (i32, i32) {
    %c0_i32 = arith.constant 0 : i32
    %c0_i32_0 = arith.constant 0 : i32
    return %arg0, %c0_i32 : i32, i32
  }
}

module attributes {stable_mosaic.version = 14 : i64} {
  func.func @_node0_body(%arg0: i32, %arg1: memref<2x1024x128xf32, #tpu.memory_space<vmem>>, %arg2: memref<1024x128xf32, #tpu.memory_space<vmem>>, %arg3: memref<128x8xf32, #tpu.memory_space<vmem>>, %arg4: memref<1x8xf32, #tpu.memory_space<vmem>>, %arg5: memref<1024x128xf32, #tpu.memory_space<vmem>>) attributes {dimension_semantics = [#tpu.dimension_semantics<arbitrary>], iteration_bounds = array<i64: 10>, scalar_prefetch = 0 : i64, scratch_operands = 0 : i64, tpu.core_type = #tpu.core_type<tc>, window_params = [{transform_indices = @transform_0, window_bounds = array<i64: 2, 1024, 128>}, {transform_indices = @transform_1, window_bounds = array<i64: 1024, 128>}, {pipeline_mode = #tpu.pipeline_mode<synchronous>, transform_indices = @transform_2, window_bounds = array<i64: 128, 8>}, {pipeline_mode = #tpu.pipeline_mode<synchronous>, transform_indices = @transform_3, window_bounds = array<i64: 1, 8>}, {transform_indices = @transform_4, window_bounds = array<i64: 1024, 128>}]} {
    %get3A = arith.constant 0 : index
    %get3A_0 = arith.constant 0 : index
    %get3A_1 = arith.constant 0 : index
    %get3A_2 = vector.load %arg1[%get3A, %get3A_0, %get3A_1] : memref<2x1024x128xf32, #tpu.memory_space<vmem>>, vector<1x1024x8xf32>
    %get3A_3 = vector.shape_cast %get3A_2 : vector<1x1024x8xf32> to vector<1024x8xf32>
    %get3A_4 = arith.constant 1 : index
    %get3A_5 = arith.constant 0 : index
    %get3A_6 = arith.constant 0 : index
    %get3A_7 = vector.load %arg1[%get3A_4, %get3A_5, %get3A_6] : memref<2x1024x128xf32, #tpu.memory_space<vmem>>, vector<1x1024x8xf32>
    %get3A_8 = vector.shape_cast %get3A_7 : vector<1x1024x8xf32> to vector<1024x8xf32>
    %add3A = arith.addf %get3A_3, %get3A_8 : vector<1024x8xf32>
    %get3A_9 = arith.constant 0 : index
    %get3A_10 = arith.constant 0 : index
    %get3A_11 = vector.load %arg2[%get3A_9, %get3A_10] : memref<1024x128xf32, #tpu.memory_space<vmem>>, vector<1024x128xf32>
    %get3A_12 = arith.constant 0 : index
    %get3A_13 = arith.constant 0 : index
    %get3A_14 = vector.load %arg3[%get3A_12, %get3A_13] : memref<128x8xf32, #tpu.memory_space<vmem>>, vector<128x8xf32>
    %dot_general3A = arith.constant dense<0.000000e+00> : vector<1024x8xf32>
    %dot_general3A_15 = tpu.matmul %get3A_11, %get3A_14, %dot_general3A {dimension_numbers = #tpu.dot_dimension_numbers<[1], [0], [0], [1], [0, 0, 1, 1], [], []>, transpose_lhs_hint = false} : vector<1024x128xf32>, vector<128x8xf32>, vector<1024x8xf32> -> vector<1024x8xf32>
    %add3A_16 = arith.addf %add3A, %dot_general3A_15 : vector<1024x8xf32>
    %get3A_17 = arith.constant 0 : index
    %get3A_18 = arith.constant 0 : index
    %get3A_19 = vector.load %arg4[%get3A_17, %get3A_18] : memref<1x8xf32, #tpu.memory_space<vmem>>, vector<1x8xf32>
    %add3A_20 = vector.broadcast %get3A_19 : vector<1x8xf32> to vector<1024x8xf32>
    %add3A_21 = arith.addf %add3A_16, %add3A_20 : vector<1024x8xf32>
    %max3A = arith.constant 0.000000e+00 : f32
    %max3A_22 = vector.broadcast %max3A : f32 to vector<1024x8xf32>
    %max3A_23 = arith.maximumf %add3A_21, %max3A_22 : vector<1024x8xf32>
    %jit3A = arith.constant 0 : i32
    %convert_element_type3A = arith.sitofp %jit3A : i32 to f32
    %pad3A = vector.broadcast %convert_element_type3A : f32 to vector<1024x120xf32>
    %pad3A_24 = tpu.concatenate %max3A_23, %pad3A in 1 : vector<1024x8xf32>, vector<1024x120xf32> -> vector<1024x128xf32>
    %swap3A = arith.constant 0 : index
    %swap3A_25 = arith.constant 0 : index
    %swap3A_26 = vector.load %arg5[%swap3A, %swap3A_25] : memref<1024x128xf32, #tpu.memory_space<vmem>>, vector<1024x128xf32>
    tpu.vector_store %arg5[%swap3A, %swap3A_25], %pad3A_24 {strides = array<i32>} : memref<1024x128xf32, #tpu.memory_space<vmem>>, vector<1024x128xf32>,
    return
  }
  func.func @transform_0(%arg0: i32) -> (i32, i32, i32) {
    %c0_i32 = arith.constant 0 : i32
    %c0_i32_0 = arith.constant 0 : i32
    %c0_i32_1 = arith.constant 0 : i32
    return %c0_i32, %arg0, %c0_i32_0 : i32, i32, i32
  }
  func.func @transform_1(%arg0: i32) -> (i32, i32) {
    %c0_i32 = arith.constant 0 : i32
    %c0_i32_0 = arith.constant 0 : i32
    return %arg0, %c0_i32 : i32, i32
  }
  func.func @transform_2(%arg0: i32) -> (i32, i32) {
    %c0_i32 = arith.constant 0 : i32
    %c0_i32_0 = arith.constant 0 : i32
    %c0_i32_1 = arith.constant 0 : i32
    return %c0_i32, %c0_i32_0 : i32, i32
  }
  func.func @transform_3(%arg0: i32) -> (i32, i32) {
    %c0_i32 = arith.constant 0 : i32
    %c0_i32_0 = arith.constant 0 : i32
    %c0_i32_1 = arith.constant 0 : i32
    return %c0_i32, %c0_i32_0 : i32, i32
  }
  func.func @transform_4(%arg0: i32) -> (i32, i32) {
    %c0_i32 = arith.constant 0 : i32
    %c0_i32_0 = arith.constant 0 : i32
    return %arg0, %c0_i32 : i32, i32
  }
}

module attributes {stable_mosaic.version = 14 : i64} {
  func.func @_edge_body(%arg0: i32, %arg1: memref<1024x4xf32, #tpu.memory_space<vmem>>, %arg2: memref<1024x128xf32, #tpu.memory_space<vmem>>, %arg3: memref<4x32xf32, #tpu.memory_space<vmem>>, %arg4: memref<1x32xf32, #tpu.memory_space<vmem>>, %arg5: memref<16x272xf32, #tpu.memory_space<vmem>>, %arg6: memref<32x272xf32, #tpu.memory_space<vmem>>, %arg7: memref<1x272xf32, #tpu.memory_space<vmem>>, %arg8: memref<272x16xf32, #tpu.memory_space<vmem>>, %arg9: memref<1024x128xf32, #tpu.memory_space<vmem>>) attributes {dimension_semantics = [#tpu.dimension_semantics<arbitrary>], iteration_bounds = array<i64: 160>, scalar_prefetch = 0 : i64, scratch_operands = 0 : i64, tpu.core_type = #tpu.core_type<tc>, window_params = [{transform_indices = @transform_0, window_bounds = array<i64: 1024, 4>}, {transform_indices = @transform_1, window_bounds = array<i64: 1024, 128>}, {pipeline_mode = #tpu.pipeline_mode<synchronous>, transform_indices = @transform_2, window_bounds = array<i64: 4, 32>}, {pipeline_mode = #tpu.pipeline_mode<synchronous>, transform_indices = @transform_3, window_bounds = array<i64: 1, 32>}, {pipeline_mode = #tpu.pipeline_mode<synchronous>, transform_indices = @transform_4, window_bounds = array<i64: 16, 272>}, {pipeline_mode = #tpu.pipeline_mode<synchronous>, transform_indices = @transform_5, window_bounds = array<i64: 32, 272>}, {pipeline_mode = #tpu.pipeline_mode<synchronous>, transform_indices = @transform_6, window_bounds = array<i64: 1, 272>}, {pipeline_mode = #tpu.pipeline_mode<synchronous>, transform_indices = @transform_7, window_bounds = array<i64: 272, 16>}, {transform_indices = @transform_8, window_bounds = array<i64: 1024, 128>}]} {
    %get3A = arith.constant 0 : index
    %get3A_0 = arith.constant 0 : index
    %get3A_1 = vector.load %arg1[%get3A, %get3A_0] : memref<1024x4xf32, #tpu.memory_space<vmem>>, vector<1024x4xf32>
    %get3A_2 = arith.constant 0 : index
    %get3A_3 = arith.constant 0 : index
    %get3A_4 = vector.load %arg3[%get3A_2, %get3A_3] : memref<4x32xf32, #tpu.memory_space<vmem>>, vector<4x32xf32>
    %dot_general3A = arith.constant dense<0.000000e+00> : vector<1024x32xf32>
    %dot_general3A_5 = tpu.matmul %get3A_1, %get3A_4, %dot_general3A {dimension_numbers = #tpu.dot_dimension_numbers<[1], [0], [0], [1], [0, 0, 1, 1], [], []>, transpose_lhs_hint = false} : vector<1024x4xf32>, vector<4x32xf32>, vector<1024x32xf32> -> vector<1024x32xf32>
    %get3A_6 = arith.constant 0 : index
    %get3A_7 = arith.constant 0 : index
    %get3A_8 = vector.load %arg4[%get3A_6, %get3A_7] : memref<1x32xf32, #tpu.memory_space<vmem>>, vector<1x32xf32>
    %add3A = vector.broadcast %get3A_8 : vector<1x32xf32> to vector<1024x32xf32>
    %add3A_9 = arith.addf %dot_general3A_5, %add3A : vector<1024x32xf32>
    %gt3A = arith.constant 0.000000e+00 : f32
    %gt3A_10 = vector.broadcast %gt3A : f32 to vector<1024x32xf32>
    %gt3A_11 = arith.cmpf ogt, %add3A_9, %gt3A_10 : vector<1024x32xf32>
    %mul3A = arith.constant 0.00999999977 : f32
    %mul3A_12 = vector.broadcast %mul3A : f32 to vector<1024x32xf32>
    %mul3A_13 = arith.mulf %mul3A_12, %add3A_9 : vector<1024x32xf32>
    %select_n3A = arith.select %gt3A_11, %add3A_9, %mul3A_13 : vector<1024x32xi1>, vector<1024x32xf32>
    %get3A_14 = arith.constant 0 : index
    %get3A_15 = arith.constant 0 : index
    %get3A_16 = vector.load %arg6[%get3A_14, %get3A_15] : memref<32x272xf32, #tpu.memory_space<vmem>>, vector<32x272xf32>
    %dot_general3A_17 = arith.constant dense<0.000000e+00> : vector<1024x272xf32>
    %dot_general3A_18 = tpu.matmul %select_n3A, %get3A_16, %dot_general3A_17 {dimension_numbers = #tpu.dot_dimension_numbers<[1], [0], [0], [1], [0, 0, 1, 1], [], []>, transpose_lhs_hint = false} : vector<1024x32xf32>, vector<32x272xf32>, vector<1024x272xf32> -> vector<1024x272xf32>
    %get3A_19 = arith.constant 0 : index
    %get3A_20 = arith.constant 0 : index
    %get3A_21 = vector.load %arg7[%get3A_19, %get3A_20] : memref<1x272xf32, #tpu.memory_space<vmem>>, vector<1x272xf32>
    %add3A_22 = vector.broadcast %get3A_21 : vector<1x272xf32> to vector<1024x272xf32>
    %add3A_23 = arith.addf %dot_general3A_18, %add3A_22 : vector<1024x272xf32>
    %get3A_24 = arith.constant 0 : index
    %get3A_25 = arith.constant 0 : index
    %get3A_26 = vector.load %arg2[%get3A_24, %get3A_25] : memref<1024x128xf32, #tpu.memory_space<vmem>>, vector<1024x16xf32>
    %get3A_27 = arith.constant 0 : index
    %get3A_28 = arith.constant 0 : index
    %get3A_29 = vector.load %arg5[%get3A_27, %get3A_28] : memref<16x272xf32, #tpu.memory_space<vmem>>, vector<16x272xf32>
    %dot_general3A_30 = arith.constant dense<0.000000e+00> : vector<1024x272xf32>
    %dot_general3A_31 = tpu.matmul %get3A_26, %get3A_29, %dot_general3A_30 {dimension_numbers = #tpu.dot_dimension_numbers<[1], [0], [0], [1], [0, 0, 1, 1], [], []>, transpose_lhs_hint = false} : vector<1024x16xf32>, vector<16x272xf32>, vector<1024x272xf32> -> vector<1024x272xf32>
    %mul3A_32 = arith.mulf %add3A_23, %dot_general3A_31 : vector<1024x272xf32>
    %get3A_33 = arith.constant 0 : index
    %get3A_34 = arith.constant 0 : index
    %get3A_35 = vector.load %arg8[%get3A_33, %get3A_34] : memref<272x16xf32, #tpu.memory_space<vmem>>, vector<272x16xf32>
    %dot_general3A_36 = arith.constant dense<0.000000e+00> : vector<1024x16xf32>
    %dot_general3A_37 = tpu.matmul %mul3A_32, %get3A_35, %dot_general3A_36 {dimension_numbers = #tpu.dot_dimension_numbers<[1], [0], [0], [1], [0, 0, 1, 1], [], []>, transpose_lhs_hint = false} : vector<1024x272xf32>, vector<272x16xf32>, vector<1024x16xf32> -> vector<1024x16xf32>
    %jit3A = arith.constant 0 : i32
    %convert_element_type3A = arith.sitofp %jit3A : i32 to f32
    %pad3A = vector.broadcast %convert_element_type3A : f32 to vector<1024x112xf32>
    %pad3A_38 = tpu.concatenate %dot_general3A_37, %pad3A in 1 : vector<1024x16xf32>, vector<1024x112xf32> -> vector<1024x128xf32>
    %swap3A = arith.constant 0 : index
    %swap3A_39 = arith.constant 0 : index
    %swap3A_40 = vector.load %arg9[%swap3A, %swap3A_39] : memref<1024x128xf32, #tpu.memory_space<vmem>>, vector<1024x128xf32>
    tpu.vector_store %arg9[%swap3A, %swap3A_39], %pad3A_38 {strides = array<i32>} : memref<1024x128xf32, #tpu.memory_space<vmem>>, vector<1024x128xf32>,
    return
  }
  func.func @transform_0(%arg0: i32) -> (i32, i32) {
    %c0_i32 = arith.constant 0 : i32
    %c0_i32_0 = arith.constant 0 : i32
    return %arg0, %c0_i32 : i32, i32
  }
  func.func @transform_1(%arg0: i32) -> (i32, i32) {
    %c0_i32 = arith.constant 0 : i32
    %c0_i32_0 = arith.constant 0 : i32
    return %arg0, %c0_i32 : i32, i32
  }
  func.func @transform_2(%arg0: i32) -> (i32, i32) {
    %c0_i32 = arith.constant 0 : i32
    %c0_i32_0 = arith.constant 0 : i32
    %c0_i32_1 = arith.constant 0 : i32
    return %c0_i32, %c0_i32_0 : i32, i32
  }
  func.func @transform_3(%arg0: i32) -> (i32, i32) {
    %c0_i32 = arith.constant 0 : i32
    %c0_i32_0 = arith.constant 0 : i32
    %c0_i32_1 = arith.constant 0 : i32
    return %c0_i32, %c0_i32_0 : i32, i32
  }
  func.func @transform_4(%arg0: i32) -> (i32, i32) {
    %c0_i32 = arith.constant 0 : i32
    %c0_i32_0 = arith.constant 0 : i32
    %c0_i32_1 = arith.constant 0 : i32
    return %c0_i32, %c0_i32_0 : i32, i32
  }
  func.func @transform_5(%arg0: i32) -> (i32, i32) {
    %c0_i32 = arith.constant 0 : i32
    %c0_i32_0 = arith.constant 0 : i32
    %c0_i32_1 = arith.constant 0 : i32
    return %c0_i32, %c0_i32_0 : i32, i32
  }
  func.func @transform_6(%arg0: i32) -> (i32, i32) {
    %c0_i32 = arith.constant 0 : i32
    %c0_i32_0 = arith.constant 0 : i32
    %c0_i32_1 = arith.constant 0 : i32
    return %c0_i32, %c0_i32_0 : i32, i32
  }
  func.func @transform_7(%arg0: i32) -> (i32, i32) {
    %c0_i32 = arith.constant 0 : i32
    %c0_i32_0 = arith.constant 0 : i32
    %c0_i32_1 = arith.constant 0 : i32
    return %c0_i32, %c0_i32_0 : i32, i32
  }
  func.func @transform_8(%arg0: i32) -> (i32, i32) {
    %c0_i32 = arith.constant 0 : i32
    %c0_i32_0 = arith.constant 0 : i32
    return %arg0, %c0_i32 : i32, i32
  }
}

module attributes {stable_mosaic.version = 14 : i64} {
  func.func @_node1_body(%arg0: i32, %arg1: memref<2x1024x128xf32, #tpu.memory_space<vmem>>, %arg2: memref<1024x128xf32, #tpu.memory_space<vmem>>, %arg3: memref<128x8xf32, #tpu.memory_space<vmem>>, %arg4: memref<1x8xf32, #tpu.memory_space<vmem>>, %arg5: memref<1x1x1024xi32, #tpu.memory_space<vmem>>, %arg6: memref<64x8xf32, #tpu.memory_space<vmem>>) attributes {dimension_semantics = [#tpu.dimension_semantics<arbitrary>], iteration_bounds = array<i64: 10>, scalar_prefetch = 0 : i64, scratch_operands = 0 : i64, tpu.core_type = #tpu.core_type<tc>, window_params = [{transform_indices = @transform_0, window_bounds = array<i64: 2, 1024, 128>}, {transform_indices = @transform_1, window_bounds = array<i64: 1024, 128>}, {pipeline_mode = #tpu.pipeline_mode<synchronous>, transform_indices = @transform_2, window_bounds = array<i64: 128, 8>}, {pipeline_mode = #tpu.pipeline_mode<synchronous>, transform_indices = @transform_3, window_bounds = array<i64: 1, 8>}, {transform_indices = @transform_4, window_bounds = array<i64: 1, 1, 1024>}, {pipeline_mode = #tpu.pipeline_mode<synchronous>, transform_indices = @transform_5, window_bounds = array<i64: 64, 8>}]} {
    %eq3A = arith.constant 0 : i32
    %eq3A_0 = arith.cmpi eq, %arg0, %eq3A : i32
    %convert_element_type3A = arith.extui %eq3A_0 : i1 to i32
    %cond3A = arith.constant 0 : i32
    %cond3A_1 = arith.cmpi ne, %convert_element_type3A, %cond3A : i32
    scf.if %cond3A_1 {
      %broadcast_in_dim3A_43 = arith.constant 0.000000e+00 : f32
      %broadcast_in_dim3A_44 = vector.broadcast %broadcast_in_dim3A_43 : f32 to vector<64x8xf32>
      %swap3A_45 = arith.constant 0 : index
      %swap3A_46 = arith.constant 0 : index
      %swap3A_47 = vector.load %arg6[%swap3A_45, %swap3A_46] : memref<64x8xf32, #tpu.memory_space<vmem>>, vector<64x8xf32>
      tpu.vector_store %arg6[%swap3A_45, %swap3A_46], %broadcast_in_dim3A_44 {strides = array<i32>} : memref<64x8xf32, #tpu.memory_space<vmem>>, vector<64x8xf32>,
    } else {
    }
    %get3A = arith.constant 0 : index
    %get3A_2 = arith.constant 0 : index
    %get3A_3 = arith.constant 0 : index
    %get3A_4 = vector.load %arg1[%get3A, %get3A_2, %get3A_3] : memref<2x1024x128xf32, #tpu.memory_space<vmem>>, vector<1x1024x8xf32>
    %get3A_5 = vector.shape_cast %get3A_4 : vector<1x1024x8xf32> to vector<1024x8xf32>
    %get3A_6 = arith.constant 1 : index
    %get3A_7 = arith.constant 0 : index
    %get3A_8 = arith.constant 0 : index
    %get3A_9 = vector.load %arg1[%get3A_6, %get3A_7, %get3A_8] : memref<2x1024x128xf32, #tpu.memory_space<vmem>>, vector<1x1024x8xf32>
    %get3A_10 = vector.shape_cast %get3A_9 : vector<1x1024x8xf32> to vector<1024x8xf32>
    %add3A = arith.addf %get3A_5, %get3A_10 : vector<1024x8xf32>
    %get3A_11 = arith.constant 0 : index
    %get3A_12 = arith.constant 0 : index
    %get3A_13 = vector.load %arg2[%get3A_11, %get3A_12] : memref<1024x128xf32, #tpu.memory_space<vmem>>, vector<1024x128xf32>
    %get3A_14 = arith.constant 0 : index
    %get3A_15 = arith.constant 0 : index
    %get3A_16 = vector.load %arg3[%get3A_14, %get3A_15] : memref<128x8xf32, #tpu.memory_space<vmem>>, vector<128x8xf32>
    %dot_general3A = arith.constant dense<0.000000e+00> : vector<1024x8xf32>
    %dot_general3A_17 = tpu.matmul %get3A_13, %get3A_16, %dot_general3A {dimension_numbers = #tpu.dot_dimension_numbers<[1], [0], [0], [1], [0, 0, 1, 1], [], []>, transpose_lhs_hint = false} : vector<1024x128xf32>, vector<128x8xf32>, vector<1024x8xf32> -> vector<1024x8xf32>
    %add3A_18 = arith.addf %add3A, %dot_general3A_17 : vector<1024x8xf32>
    %get3A_19 = arith.constant 0 : index
    %get3A_20 = arith.constant 0 : index
    %get3A_21 = vector.load %arg4[%get3A_19, %get3A_20] : memref<1x8xf32, #tpu.memory_space<vmem>>, vector<1x8xf32>
    %add3A_22 = vector.broadcast %get3A_21 : vector<1x8xf32> to vector<1024x8xf32>
    %add3A_23 = arith.addf %add3A_18, %add3A_22 : vector<1024x8xf32>
    %max3A = arith.constant 0.000000e+00 : f32
    %max3A_24 = vector.broadcast %max3A : f32 to vector<1024x8xf32>
    %max3A_25 = arith.maximumf %add3A_23, %max3A_24 : vector<1024x8xf32>
    %get3A_26 = arith.constant 0 : index
    %get3A_27 = arith.constant 0 : index
    %get3A_28 = arith.constant 0 : index
    %get3A_29 = vector.load %arg5[%get3A_26, %get3A_27, %get3A_28] : memref<1x1x1024xi32, #tpu.memory_space<vmem>>, vector<1x1x1024xi32>
    %get3A_30 = vector.shape_cast %get3A_29 : vector<1x1x1024xi32> to vector<1024xi32>
    %broadcast_in_dim3A = vector.shape_cast %get3A_30 : vector<1024xi32> to vector<1x1024xi32>
    %iota3A = tpu.iota {dimensions = array<i32: 0>} : vector<64x1024xi32>
    %eq3A_31 = vector.broadcast %broadcast_in_dim3A : vector<1x1024xi32> to vector<64x1024xi32>
    %eq3A_32 = arith.cmpi eq, %eq3A_31, %iota3A : vector<64x1024xi32>
    %convert_element_type3A_33 = arith.extui %eq3A_32 : vector<64x1024xi1> to vector<64x1024xi32>
    %convert_element_type3A_34 = arith.sitofp %convert_element_type3A_33 : vector<64x1024xi32> to vector<64x1024xf32>
    %get3A_35 = arith.constant 0 : index
    %get3A_36 = arith.constant 0 : index
    %get3A_37 = vector.load %arg6[%get3A_35, %get3A_36] : memref<64x8xf32, #tpu.memory_space<vmem>>, vector<64x8xf32>
    %dot_general3A_38 = arith.constant dense<0.000000e+00> : vector<64x8xf32>
    %dot_general3A_39 = tpu.matmul %convert_element_type3A_34, %max3A_25, %dot_general3A_38 {dimension_numbers = #tpu.dot_dimension_numbers<[1], [0], [0], [1], [0, 0, 1, 1], [], []>, transpose_lhs_hint = false} : vector<64x1024xf32>, vector<1024x8xf32>, vector<64x8xf32> -> vector<64x8xf32>
    %add3A_40 = arith.addf %get3A_37, %dot_general3A_39 : vector<64x8xf32>
    %swap3A = arith.constant 0 : index
    %swap3A_41 = arith.constant 0 : index
    %swap3A_42 = vector.load %arg6[%swap3A, %swap3A_41] : memref<64x8xf32, #tpu.memory_space<vmem>>, vector<64x8xf32>
    tpu.vector_store %arg6[%swap3A, %swap3A_41], %add3A_40 {strides = array<i32>} : memref<64x8xf32, #tpu.memory_space<vmem>>, vector<64x8xf32>,
    return
  }
  func.func @transform_0(%arg0: i32) -> (i32, i32, i32) {
    %c0_i32 = arith.constant 0 : i32
    %c0_i32_0 = arith.constant 0 : i32
    %c0_i32_1 = arith.constant 0 : i32
    return %c0_i32, %arg0, %c0_i32_0 : i32, i32, i32
  }
  func.func @transform_1(%arg0: i32) -> (i32, i32) {
    %c0_i32 = arith.constant 0 : i32
    %c0_i32_0 = arith.constant 0 : i32
    return %arg0, %c0_i32 : i32, i32
  }
  func.func @transform_2(%arg0: i32) -> (i32, i32) {
    %c0_i32 = arith.constant 0 : i32
    %c0_i32_0 = arith.constant 0 : i32
    %c0_i32_1 = arith.constant 0 : i32
    return %c0_i32, %c0_i32_0 : i32, i32
  }
  func.func @transform_3(%arg0: i32) -> (i32, i32) {
    %c0_i32 = arith.constant 0 : i32
    %c0_i32_0 = arith.constant 0 : i32
    %c0_i32_1 = arith.constant 0 : i32
    return %c0_i32, %c0_i32_0 : i32, i32
  }
  func.func @transform_4(%arg0: i32) -> (i32, i32, i32) {
    %c0_i32 = arith.constant 0 : i32
    %c0_i32_0 = arith.constant 0 : i32
    %c0_i32_1 = arith.constant 0 : i32
    return %arg0, %c0_i32, %c0_i32_0 : i32, i32, i32
  }
  func.func @transform_5(%arg0: i32) -> (i32, i32) {
    %c0_i32 = arith.constant 0 : i32
    %c0_i32_0 = arith.constant 0 : i32
    %c0_i32_1 = arith.constant 0 : i32
    return %c0_i32, %c0_i32_0 : i32, i32
  }
}

module attributes {stable_mosaic.version = 14 : i64} {
  func.func @_head_body(%arg0: memref<64x8xf32, #tpu.memory_space<vmem>>, %arg1: memref<8x64xf32, #tpu.memory_space<vmem>>, %arg2: memref<1x64xf32, #tpu.memory_space<vmem>>, %arg3: memref<64x64xf32, #tpu.memory_space<vmem>>, %arg4: memref<1x64xf32, #tpu.memory_space<vmem>>, %arg5: memref<64x12xf32, #tpu.memory_space<vmem>>, %arg6: memref<1x12xf32, #tpu.memory_space<vmem>>, %arg7: memref<64x12xf32, #tpu.memory_space<vmem>>) attributes {dimension_semantics = [], scalar_prefetch = 0 : i64, scratch_operands = 0 : i64, tpu.core_type = #tpu.core_type<tc>} {
    %get3A = arith.constant 0 : index
    %get3A_0 = arith.constant 0 : index
    %get3A_1 = vector.load %arg0[%get3A, %get3A_0] : memref<64x8xf32, #tpu.memory_space<vmem>>, vector<64x8xf32>
    %get3A_2 = arith.constant 0 : index
    %get3A_3 = arith.constant 0 : index
    %get3A_4 = vector.load %arg1[%get3A_2, %get3A_3] : memref<8x64xf32, #tpu.memory_space<vmem>>, vector<8x64xf32>
    %dot_general3A = arith.constant dense<0.000000e+00> : vector<64x64xf32>
    %dot_general3A_5 = tpu.matmul %get3A_1, %get3A_4, %dot_general3A {dimension_numbers = #tpu.dot_dimension_numbers<[1], [0], [0], [1], [0, 0, 1, 1], [], []>, transpose_lhs_hint = false} : vector<64x8xf32>, vector<8x64xf32>, vector<64x64xf32> -> vector<64x64xf32>
    %get3A_6 = arith.constant 0 : index
    %get3A_7 = arith.constant 0 : index
    %get3A_8 = vector.load %arg2[%get3A_6, %get3A_7] : memref<1x64xf32, #tpu.memory_space<vmem>>, vector<1x64xf32>
    %add3A = vector.broadcast %get3A_8 : vector<1x64xf32> to vector<64x64xf32>
    %add3A_9 = arith.addf %dot_general3A_5, %add3A : vector<64x64xf32>
    %max3A = arith.constant 0.000000e+00 : f32
    %max3A_10 = vector.broadcast %max3A : f32 to vector<64x64xf32>
    %max3A_11 = arith.maximumf %add3A_9, %max3A_10 : vector<64x64xf32>
    %get3A_12 = arith.constant 0 : index
    %get3A_13 = arith.constant 0 : index
    %get3A_14 = vector.load %arg3[%get3A_12, %get3A_13] : memref<64x64xf32, #tpu.memory_space<vmem>>, vector<64x64xf32>
    %dot_general3A_15 = arith.constant dense<0.000000e+00> : vector<64x64xf32>
    %dot_general3A_16 = tpu.matmul %max3A_11, %get3A_14, %dot_general3A_15 {dimension_numbers = #tpu.dot_dimension_numbers<[1], [0], [0], [1], [0, 0, 1, 1], [], []>, transpose_lhs_hint = false} : vector<64x64xf32>, vector<64x64xf32>, vector<64x64xf32> -> vector<64x64xf32>
    %get3A_17 = arith.constant 0 : index
    %get3A_18 = arith.constant 0 : index
    %get3A_19 = vector.load %arg4[%get3A_17, %get3A_18] : memref<1x64xf32, #tpu.memory_space<vmem>>, vector<1x64xf32>
    %add3A_20 = vector.broadcast %get3A_19 : vector<1x64xf32> to vector<64x64xf32>
    %add3A_21 = arith.addf %dot_general3A_16, %add3A_20 : vector<64x64xf32>
    %max3A_22 = arith.constant 0.000000e+00 : f32
    %max3A_23 = vector.broadcast %max3A_22 : f32 to vector<64x64xf32>
    %max3A_24 = arith.maximumf %add3A_21, %max3A_23 : vector<64x64xf32>
    %get3A_25 = arith.constant 0 : index
    %get3A_26 = arith.constant 0 : index
    %get3A_27 = vector.load %arg5[%get3A_25, %get3A_26] : memref<64x12xf32, #tpu.memory_space<vmem>>, vector<64x12xf32>
    %dot_general3A_28 = arith.constant dense<0.000000e+00> : vector<64x12xf32>
    %dot_general3A_29 = tpu.matmul %max3A_24, %get3A_27, %dot_general3A_28 {dimension_numbers = #tpu.dot_dimension_numbers<[1], [0], [0], [1], [0, 0, 1, 1], [], []>, transpose_lhs_hint = false} : vector<64x64xf32>, vector<64x12xf32>, vector<64x12xf32> -> vector<64x12xf32>
    %get3A_30 = arith.constant 0 : index
    %get3A_31 = arith.constant 0 : index
    %get3A_32 = vector.load %arg6[%get3A_30, %get3A_31] : memref<1x12xf32, #tpu.memory_space<vmem>>, vector<1x12xf32>
    %add3A_33 = vector.broadcast %get3A_32 : vector<1x12xf32> to vector<64x12xf32>
    %add3A_34 = arith.addf %dot_general3A_29, %add3A_33 : vector<64x12xf32>
    %swap3A = arith.constant 0 : index
    %swap3A_35 = arith.constant 0 : index
    %swap3A_36 = vector.load %arg7[%swap3A, %swap3A_35] : memref<64x12xf32, #tpu.memory_space<vmem>>, vector<64x12xf32>
    tpu.vector_store %arg7[%swap3A, %swap3A_35], %add3A_34 {strides = array<i32>} : memref<64x12xf32, #tpu.memory_space<vmem>>, vector<64x12xf32>,
    return
  }
}

</mosaic_0001>

<sc_bundles>
// kernel: kernel.11.cloned.1.call-start
scs
__scs_entry_jumppad:
0x0: {  	(pc) =	sbr.rel $0x88, $3  }
0x1: {  	(tag) =	ssettag $0x0;
	lr =	simm.s32 $0x1  }
0x2: {  	[smem:$0x3F8B] =	sst lr;
	_ =	strace $0xD0000000  }
0x3: {  	_ = 	snop  }
0x4: {  	_ = 	snop  }
0x5: {  	_ = 	snop  }
0x6: {  	_ = 	snop  }
0x7: {  	_ = 	snop  }
__scs_overlays_trampoline_lowered:
0x8: {  	[smem:$0x3F9A] =	sst s0  }
0x9: {  	[smem:$0x3F9B] =	sst s1  }
0xa: {  	[smem:$0x3F9C] =	sst s2  }
0xb: {  	[smem:$0x3F9D] =	sst s3  }
0xc: {  	[smem:$0x3F9E] =	sst s4  }
0xd: {  	[smem:$0x3F9F] =	sst s5  }
0xe: {  	[smem:$0x3FA0] =	sst s6  }
0xf: {  	[smem:$0x3FA1] =	sst s7  }
0x10: {  	[smem:$0x3FA2] =	sst s8  }
0x11: {  	[smem:$0x3FA3] =	sst s9;
	s0 =	simm.s32 @!p0 $0x0  }
0x12: {  	s1 =	sld [smem:$0x3F89];
	s0 =	simm.s32 @p0 $0x1  }
0x13: {  	[smem:$0x3FA4] =	sst s0;
	s0 =	simm.s32 @!p1 $0x0  }
0x14: {  	s2 =	sld [smem:$0x3F88];
	s0 =	simm.s32 @p1 $0x1  }
0x15: {  	[smem:$0x3FA5] =	sst s0;
	s0 =	simm.s32 @!p2 $0x0  }
0x16: {  	s3 =	sld [smem:$0x3FDB];
	s0 =	simm.s32 @p2 $0x1  }
0x17: {  	s4 =	simm.s32 $0x1BF5;
	[smem:$0x3FA7] =	sst s0  }
0x18: {  	s0 =	sld [smem:$0x3F8A];
	_ =	swait.ge [sflag:s4], $0x0  }
0x19: {  	s7 =	sld [smem:$0x3F8B]  }
0x1a: {  	s8 =	sadd.s32 $0xFFFFE003, lr  }
0x1b: {  	s9 =	sadd.s32 $0xFFFFFEF7, lr;
	s5 =	simm.s32 $0xFFFFFFFF;
	p2 =	slt.u32 s8, $0xFFFFF086  }
0x1c: {  	p1 =	slt.u32 s9, $0xF7A;
	s5 =	simm.s32 @!p2 $0x0  }
0x1d: {  	s5 =	simm.s32 @p1 $0x1;
	p0 =	seq.s32 s7, s2  }
0x1e: {  	s7 =	smul.u32 @!p0 $0xF7A, s2;
	p2 =	seq.s32 @!p0 s5, $0x0  }
0x1f: {  	s9 =	smul.u32 $0xF7A, s1;
	s8 =	simm.s32 @!p0 $0x1BF5;
	p2 =	por !p2, p0  }
0x20: {  	[sflag:s8] =	ssyncset.s32 @!p0 $0xFFFFF086;
	s6 =	sadd.s32 @!p0 s3, s7;
	s7 =	simm.s32 @!p0 $0x108  }
0x21: {  	s3 =	sadd.s32 s3, s9;
	s6 =	sadd.s32 @!p0 $0x88, s6;
	s7 =	simm.s32 @p2 $0x1082  }
0x22: {  	[simem:s7], [sflag:s8] =	dma.local @!p0 [hbm:s6], $0xF7A  }
0x23: {  	s9 =	sor.u32 $0xD0000000, s2;
	s6 =	simm.s32 $0x108;
	_ =	swait.ge @!p0 [sflag:s8], $0x0  }
0x24: {  	s3 =	sadd.s32 $0x88, s3;
	s6 =	simm.s32 @!p1 $0x1082;
	[sflag:s4] =	ssyncset.s32 $0xFFFFF086  }
0x25: {  	[simem:s6], [sflag:s4] =	dma.local [hbm:s3], $0xF7A  }
0x26: {  	[smem:$0x3F8B] =	sst s1;
	(tag) =	ssettag s2;
	_ =	strace s9  }
0x27: {  	s1 =	sld [smem:$0x3F9B]  }
0x28: {  	s2 =	sld [smem:$0x3F9C]  }
0x29: {  	s4 =	sld [smem:$0x3F9E]  }
0x2a: {  	p0 =	seq.s32 s5, $0x0;
	s5 =	sld [smem:$0x3F9F]  }
0x2b: {  	s6 =	sld [smem:$0x3FA0]  }
0x2c: {  	s7 =	sld [smem:$0x3FA1]  }
0x2d: {  	s3 =	simm.s32 $0x108;
	s8 =	sld [smem:$0x3FA2]  }
0x2e: {  	s3 =	simm.s32 @!p0 $0x1082;
	s9 =	sld [smem:$0x3FA3]  }
0x2f: {  	lr =	sadd.s32 s0, s3;
	s0 =	sld [smem:$0x3F9A]  }
0x30: {  	s3 =	sld [smem:$0x3F9D]  }
0x31: {  	[smem:$0x3FA6] =	sst s10  }
0x32: {  	s10 =	sld [smem:$0x3FA4];
	_ =	sdelay $0x3  }
0x33: {  	p0 =	seq.s32 s10, $0x1;
	s10 =	sld [smem:$0x3FA6];
	_ =	sdelay $0x3  }
0x34: {  	[smem:$0x3FA6] =	sst s10  }
0x35: {  	s10 =	sld [smem:$0x3FA5];
	_ =	sdelay $0x3  }
0x36: {  	p1 =	seq.s32 s10, $0x1;
	s10 =	sld [smem:$0x3FA6];
	_ =	sdelay $0x3  }
0x37: {  	[smem:$0x3FA6] =	sst s10  }
0x38: {  	s10 =	sld [smem:$0x3FA7]  }
0x39: {  	_ = 	snop;
	(pc) =	sbr.ind lr, $3  }
0x3a: {  	_ = 	snop  }
0x3b: {  	_ = 	snop  }
0x3c: {  	p2 =	seq.s32 s10, $0x1;
	s10 =	sld [smem:$0x3FA6]  }
0x3d: {  	_ =	shalt  }
0x3e: {  	_ =	shalt  }
0x3f: {  	_ =	shalt  }
0x40: {  	_ =	shalt  }
0x41: {  	_ =	shalt  }
0x42: {  	_ =	shalt  }
0x43: {  	_ =	shalt  }
0x44: {  	_ =	shalt  }
0x45: {  	_ =	shalt  }
0x46: {  	_ =	shalt  }
0x47: {  	_ =	shalt  }
0x48: {  	_ =	shalt  }
0x49: {  	_ =	shalt  }
0x4a: {  	_ =	shalt  }
0x4b: {  	_ =	shalt  }
0x4c: {  	_ =	shalt  }
0x4d: {  	_ =	shalt  }
0x4e: {  	_ =	shalt  }
0x4f: {  	_ =	shalt  }
0x50: {  	_ =	shalt  }
0x51: {  	_ =	shalt  }
0x52: {  	_ =	shalt  }
0x53: {  	_ =	shalt  }
0x54: {  	_ =	shalt  }
0x55: {  	_ =	shalt  }
0x56: {  	_ =	shalt  }
0x57: {  	_ =	shalt  }
0x58: {  	_ =	shalt  }
0x59: {  	_ =	shalt  }
0x5a: {  	_ =	shalt  }
0x5b: {  	_ =	shalt  }
0x5c: {  	_ =	shalt  }
0x5d: {  	_ =	shalt  }
0x5e: {  	_ =	shalt  }
0x5f: {  	_ =	shalt  }
0x60: {  	_ =	shalt  }
0x61: {  	_ =	shalt  }
0x62: {  	_ =	shalt  }
0x63: {  	_ =	shalt  }
0x64: {  	_ =	shalt  }
0x65: {  	_ =	shalt  }
0x66: {  	_ =	shalt  }
0x67: {  	_ =	shalt  }
0x68: {  	_ =	shalt  }
0x69: {  	_ =	shalt  }
0x6a: {  	_ =	shalt  }
0x6b: {  	_ =	shalt  }
0x6c: {  	_ =	shalt  }
0x6d: {  	_ =	shalt  }
0x6e: {  	_ =	shalt  }
0x6f: {  	_ =	shalt  }
0x70: {  	_ =	shalt  }
0x71: {  	_ =	shalt  }
0x72: {  	_ =	shalt  }
0x73: {  	_ =	shalt  }
0x74: {  	_ =	shalt  }
0x75: {  	_ =	shalt  }
0x76: {  	_ =	shalt  }
0x77: {  	_ =	shalt  }
0x78: {  	_ =	shalt  }
0x79: {  	_ =	shalt  }
0x7a: {  	_ =	shalt  }
0x7b: {  	_ =	shalt  }
0x7c: {  	_ =	shalt  }
0x7d: {  	_ =	shalt  }
0x7e: {  	_ =	shalt  }
0x7f: {  	_ =	shalt  }
0x80: {  	_ =	shalt  }
0x81: {  	_ =	shalt  }
0x82: {  	_ =	shalt  }
0x83: {  	_ =	shalt  }
0x84: {  	_ =	shalt  }
0x85: {  	_ =	shalt  }
0x86: {  	_ =	shalt  }
0x87: {  	_ =	shalt  }
.Lfunc_end0:
.L_simem_size_0:
called_computation_lowered:
.L_overlay_start_0:
0x88: {  	s2 =	sld [smem:$0x3FD9]  }
0x89: {  	s3 =	sld [smem:$0x3FFE];
	_ =	sdelay $0x1  }
0x8a: {  	s1 =	srdreg.scid  }
0x8b: {  	s0 =	sand.u32 $0x1, s1  }
0x8c: {  	s16 =	sshll.u32 s0, $0xA;
	s2 =	sadd.s32 s3, s2  }
0x8d: {  	s2 =	sadd.s32 s2, s16  }
0x8e: {  	[smem:$0x3FB2] =	sst s2  }
0x8f: {  	_ = 	snop  }
0x90: {  	(tm) =	ssettm $0x1  }
0x91: {  	s17 =	sld [smem:$0x3FFB];
	_ =	sdelay $0x3  }
0x92: {  	_ =	strace s17  }
0x93: {  	s2 =	sld [smem:$0x3FFC];
	_ =	sdelay $0x3  }
0x94: {  	_ =	strace s2  }
0x95: {  	s2 =	sld [smem:$0x3FFD];
	_ =	sdelay $0x3  }
0x96: {  	_ =	strace s2  }
0x97: {  	_ =	strace $0x8FFFFFFF  }
0x98: {  	s18 =	sld [smem:$0x3FDB];
	_ =	sdelay $0x1  }
0x99: {  	s19 =	simm.s32 $_scs_section_size  }
0x9a: {  	s4 =	simm.s32 $_size__tile_overlayer_lowered;
	s5 =	simm.s32 $_tile_overlayer_lowered  }
0x9b: {  	s22 =	simm.s32 $0x1BFF;
	s21 =	sshll.u32 s5, $0x1;
	s2 =	sadd.s32 s19, s18  }
0x9c: {  	s6 =	simm.s32 $0x0;
	s20 =	sshll.u32 s4, $0x1;
	s4 =	sadd.s32 s21, s2  }
0x9d: {  	[timem:s6], [sflag:s22] =	dma.local [hbm:s4], s20  }
0x9e: {  	_ =	swait.ge [sflag:s22], s20  }
0x9f: {  	s3 =	ssub.s32 $0x0, s20;
	[sflag:s22] =	ssyncset.done $0x0  }
0xa0: {  	[sflag:s22] =	ssyncadd.s32 s3;
	_ =	sdelay $0x1  }
0xa1: {  	s23 =	simm.s32 $0x1B8B  }
0xa2: {  	_ =	swait.ge [sflag:s23], $0x1  }
0xa3: {  	[sflag:s23] =	ssyncset.done $0x0  }
0xa4: {  	s25 =	simm.s32 $0x1B8E;
	s24 =	sld [smem:$0x3FFE];
	[sflag:s23] =	ssyncadd.s32 $0xFFFFFFFF  }
0xa5: {  	s26 =	simm.s32 $execute0_lowered;
	[smem:$0x3FD2] =	sst s25  }
0xa6: {  	s4 =	sshll.u32 s26, $0x1;
	_ =	strace $0x80000046;
	[dreg:$0x1] =	wrdreg $0xFFFFFFFF  }
0xa7: {  	s28 =	simm.s32 $_size_execute0_lowered;
	s2 =	sadd.s32 s2, s4;
	[dreg:$0x0] =	wrdreg $0x0  }
0xa8: {  	s4 =	sshll.u32 s28, $0x1;
	[dreg:$0x2] =	wrdreg s2  }
0xa9: {  	[dreg:$0x3] =	wrdreg s4  }
0xaa: {  	[dreg:$0x4] =	wrdreg $0xC0  }
0xab: {  	_ =	task [dreg:s6], $0x5FFFF  }
0xac: {  	[dreg:$0x1] =	wrdreg $0xFFFFFFFF  }
0xad: {  	[dreg:$0x0] =	wrdreg $0x60  }
0xae: {  	[dreg:$0x2] =	wrdreg s24  }
0xaf: {  	[dreg:$0x3] =	wrdreg $0x9  }
0xb0: {  	_ =	task.clear_ibuf [dreg:s6], $0x4FFFF;
	_ =	strace $0x90000046  }
0xb1: {  	s29 =	simm.s32 $0x9;
	_ =	strace $0x80000048  }
0xb2: {  	_ =	swait.ge [sflag:s29], $0x1  }
0xb3: {  	[sflag:s29] =	ssyncadd.s32 $0xFFFFFFFF  }
0xb4: {  	_ =	strace $0x90000048  }
0xb5: {  	_ =	sfence  }
0xb6: {  	s30 =	sld [smem:$0x0];
	_ =	sdelay $0x2  }
0xb7: {  	s31 =	sshll.u32 s1, $0xD;
	s1 =	sshrl.u32 s1, $0x2  }
0xb8: {  	s3 =	sand.u32 $0x4000, s31;
	s1 =	sadd.s32 s1, s30  }
0xb9: {  	s0 =	sor.u32 s3, s0;
	s1 =	sshll.u32 s1, $0x11  }
0xba: {  	s0 =	sor.u32 s1, s0  }
0xbb: {  	s0 =	sadd.s32 $0x8F2B, s0  }
0xbc: {  	[sflag:s0] =	ssyncadd.remote.s32 $0x1  }
0xbd: {  	_ =	sfence.sel $0xFFFF  }
0xbe: {  	[dreg:$0x0] =	wrdreg $0xFFFFFFFF;
	(pc) =	sbr.abs _section_cstart, $3  }
0xbf: {  	[dreg:$0x1] =	wrdreg $0xFFFFFFFF  }
0xc0: {  	_ =	task.clear_ibuf [dreg:s6], $0x2FFFF;
	_ =	strace $0x9FFFFFFF  }
0xc1: {  	(tm) =	ssettm $0x7FFFFFFF  }
tec
execute0_lowered:
.L_overlay_start_1:
0x0: {  	(tag) =	ssettag $0x1  }
0x1: {  	s1 =	srdreg.scid  }
0x2: {  	s0 =	stileid.u32;
	s4 =	rddreg [dreg:$0x0]  }
0x3: {  	s2 =	simm.s32 $0x0;
	s16 =	simm.s32 $0x5400;
	s17 =	simm.s32 $0x100  }
0x4: {  	s18 =	simm.s32 $0x9400;
	s19 =	simm.s32 $0x1;
	s20 =	simm.s32 $0xD400  }
0x5: {  	s21 =	simm.s32 $0x2;
	s22 =	simm.s32 $0x3;
	s11 =	smul.u32 $0x140000, s0  }
0x6: {  	s23 =	simm.s32 $0x4;
	s10 =	sand.u32 $0x1, s1;
	s30 =	smul.u32 $0x28000, s0  }
0x7: {  	s24 =	sshll.u32 s0, $0x1;
	s1 =	rddreg [dreg:$0x1];
	s13 =	smul.u32 $0xA0000, s10  }
0x8: {  	[smem:$0x7FF] =	sst s2;
	s5 =	sor.u32 s10, s24;
	s15 =	smul.u32 $0x14000, s10  }
0x9: {  	s12 =	sadd.s32 $0x36C00, s4;
	s7 =	ssub.s32 $0x2, s10;
	s3 =	smul.u32 $0x1400, s5  }
0xa: {  	_ =	strace $0x80000047;
	s25 =	sshrl.u32 s7, $0x1;
	s8 =	smul.u32 $0xA0000, s5  }
0xb: {  	s24 =	simm.s32 $0x1380;
	s26 =	smul.u32 $0x14000, s5;
	s7 =	ssub.s32 s7, s25  }
0xc: {  	s11 =	sadd.s32 s13, s11;
	s13 =	sadd.s32 s30, s12;
	s25 =	simm.s32 $0x0  }
0xd: {  	s6 =	sshrl.u32 s3, $0x3;
	s3 =	sadd.s32 $0xEC00, s4;
	s5 =	smax.u32 s7, $0x1  }
0xe: {  	s28 =	sshrl.u32 s8, $0x3;
	s29 =	sadd.s32 s12, s26;
	s14 =	sshrl.u32 s11, $0x3  }
0xf: {  	s11 =	sor.u32 $0xC000, s11;
	s6 =	sadd.s32 s6, s4;
	s9 =	sadd.s32 s12, s28  }
0x10: {  	s7 =	sadd.s32 $0x12800, s29;
	s8 =	sadd.s32 $0x13000, s29;
	s10 =	sadd.s32 s14, s12  }
0x11: {  	s31 =	sshrl.u32 s11, $0x3;
	s11 =	sadd.s32 s15, s13;
	s13 =	simm.s32 $0x5  }
0x12: {  	s14 =	simm.s32 $0x80;
	s15 =	simm.s32 $0x1400;
	s4 =	sadd.s32 $0x9C00, s6  }
0x13: {  	s6 =	sadd.s32 $0x12000, s9;
	s9 =	sadd.s32 $0x13800, s9;
	s12 =	sadd.s32 s31, s12  }
.LBB2_1:
0x14: {  	[tilespmem:s2], [sflag:$0x5] =	stream.linear.gather [hbm4b:s4+s2], $0x1400, $0x38;
	[tilespmem:$0x11400] =	vst v63  }
0x15: {  	_ =	swait.ge [sflag:s13], $0x1400  }
0x16: {  	[sflag:s13] =	ssyncset.done $0x0  }
0x17: {  	[sflag:s13] =	ssyncadd.s32 $0xFFFFEC00  }
0x18: {  	[tilespmem:s15], [sflag:$0x1] =	stream.indirect.gather [hbm4b:s3+s14], $0x80, s2, s14, $0xb8;
	[tilespmem:$0x11400] =	vst v63  }
0x19: {  	_ = 	snop  }
0x1a: {  	[tilespmem:s16], [sflag:$0x2] =	stream.indirect.gather [hbm4b:s3+s14], $0x80, s14, s14, $0xb8;
	[tilespmem:$0x11400] =	vst v63  }
0x1b: {  	_ = 	snop  }
0x1c: {  	[tilespmem:s18], [sflag:$0x3] =	stream.indirect.gather [hbm4b:s3+s14], $0x80, s17, s14, $0xb8;
	[tilespmem:$0x11400] =	vst v63  }
0x1d: {  	_ =	swait.ge [sflag:s19], $0x4000  }
0x1e: {  	[sflag:s19] =	ssyncset.done $0x0  }
0x1f: {  	s26 =	sadd.s32 $0x0, s10;
	[sflag:s19] =	ssyncadd.s32 $0xFFFFC000  }
0x20: {  	[hbm4b:s26+s2] =	stream.linear.scatter [tilespmem:s15], [sflag:$0x5], $0x4000, $0x38;
	[tilespmem:$0x11400] =	vst v63  }
0x21: {  	_ =	swait.ge [sflag:s13], $0x4000  }
0x22: {  	[sflag:s13] =	ssyncset.done $0x0  }
0x23: {  	s30 =	simm.s32 $0x180;
	[sflag:s13] =	ssyncadd.s32 $0xFFFFC000  }
0x24: {  	[tilespmem:s20], [sflag:$0x4] =	stream.indirect.gather [hbm4b:s3+s14], $0x80, s30, s14, $0xb8;
	[tilespmem:$0x11400] =	vst v63  }
0x25: {  	_ =	swait.ge [sflag:s21], $0x4000  }
0x26: {  	s31 =	sadd.s32 $0x0, s11;
	[sflag:s21] =	ssyncset.done $0x0  }
0x27: {  	s28 =	sadd.s32 $0x800, s31;
	[sflag:s21] =	ssyncadd.s32 $0xFFFFC000  }
0x28: {  	[hbm4b:s28+s2] =	stream.linear.scatter [tilespmem:s16], [sflag:$0x5], $0x4000, $0x38;
	[tilespmem:$0x11400] =	vst v63  }
0x29: {  	_ =	swait.ge [sflag:s13], $0x4000  }
0x2a: {  	[sflag:s13] =	ssyncset.done $0x0  }
0x2b: {  	s28 =	simm.s32 $0x200;
	[sflag:s13] =	ssyncadd.s32 $0xFFFFC000  }
0x2c: {  	[tilespmem:s15], [sflag:$0x1] =	stream.indirect.gather [hbm4b:s3+s14], $0x80, s28, s14, $0xb8;
	[tilespmem:$0x11400] =	vst v63  }
0x2d: {  	_ =	swait.ge [sflag:s22], $0x4000  }
0x2e: {  	[sflag:s22] =	ssyncset.done $0x0  }
0x2f: {  	s26 =	sadd.s32 $0x1000, s31;
	[sflag:s22] =	ssyncadd.s32 $0xFFFFC000  }
0x30: {  	[hbm4b:s26+s2] =	stream.linear.scatter [tilespmem:s18], [sflag:$0x5], $0x4000, $0x38;
	[tilespmem:$0x11400] =	vst v63  }
0x31: {  	_ =	swait.ge [sflag:s13], $0x4000  }
0x32: {  	[sflag:s13] =	ssyncset.done $0x0  }
0x33: {  	s30 =	simm.s32 $0x280;
	[sflag:s13] =	ssyncadd.s32 $0xFFFFC000  }
0x34: {  	[tilespmem:s16], [sflag:$0x2] =	stream.indirect.gather [hbm4b:s3+s14], $0x80, s30, s14, $0xb8;
	[tilespmem:$0x11400] =	vst v63  }
0x35: {  	_ =	swait.ge [sflag:s23], $0x4000  }
0x36: {  	[sflag:s23] =	ssyncset.done $0x0  }
0x37: {  	s31 =	sadd.s32 $0x0, s12;
	[sflag:s23] =	ssyncadd.s32 $0xFFFFC000  }
0x38: {  	[hbm4b:s31+s2] =	stream.linear.scatter [tilespmem:s20], [sflag:$0x5], $0x4000, $0x38;
	[tilespmem:$0x11400] =	vst v63  }
0x39: {  	_ =	swait.ge [sflag:s13], $0x4000  }
0x3a: {  	s29 =	simm.s32 $0x300;
	[sflag:s13] =	ssyncset.done $0x0  }
0x3b: {  	s28 =	simm.s32 $0x380;
	s26 =	simm.s32 $0x2000;
	[sflag:s13] =	ssyncadd.s32 $0xFFFFC000  }
.LBB2_2:
0x3c: {  	[tilespmem:s18], [sflag:$0x3] =	stream.indirect.gather [hbm4b:s3+s14], $0x80, s29, s14, $0xb8;
	[tilespmem:$0x11400] =	vst v63  }
0x3d: {  	s29 =	smov.u32 s26  }
0x3e: {  	p0 =	sne.s32 s26, $0x10000;
	s26 =	sadd.s32 $0x2000, s26;
	_ =	swait.ge [sflag:s19], $0x4000  }
0x3f: {  	[sflag:s19] =	ssyncset.done $0x0  }
0x40: {  	s30 =	sadd.s32 s29, s10;
	[sflag:s19] =	ssyncadd.s32 $0xFFFFC000  }
0x41: {  	[hbm4b:s30+s2] =	stream.linear.scatter [tilespmem:s15], [sflag:$0x5], $0x4000, $0x38;
	[tilespmem:$0x11400] =	vst v63  }
0x42: {  	_ =	swait.ge [sflag:s13], $0x4000  }
0x43: {  	[sflag:s13] =	ssyncset.done $0x0  }
0x44: {  	[sflag:s13] =	ssyncadd.s32 $0xFFFFC000  }
0x45: {  	[tilespmem:s20], [sflag:$0x4] =	stream.indirect.gather [hbm4b:s3+s14], $0x80, s28, s14, $0xb8;
	[tilespmem:$0x11400] =	vst v63  }
0x46: {  	_ =	swait.ge [sflag:s21], $0x4000  }
0x47: {  	s30 =	sadd.s32 s29, s11;
	[sflag:s21] =	ssyncset.done $0x0  }
0x48: {  	s31 =	sadd.s32 $0x800, s30;
	[sflag:s21] =	ssyncadd.s32 $0xFFFFC000  }
0x49: {  	[hbm4b:s31+s2] =	stream.linear.scatter [tilespmem:s16], [sflag:$0x5], $0x4000, $0x38;
	[tilespmem:$0x11400] =	vst v63  }
0x4a: {  	_ =	swait.ge [sflag:s13], $0x4000  }
0x4b: {  	[sflag:s13] =	ssyncset.done $0x0  }
0x4c: {  	s31 =	sadd.s32 $0x80, s28;
	[sflag:s13] =	ssyncadd.s32 $0xFFFFC000  }
0x4d: {  	[tilespmem:s15], [sflag:$0x1] =	stream.indirect.gather [hbm4b:s3+s14], $0x80, s31, s14, $0xb8;
	[tilespmem:$0x11400] =	vst v63  }
0x4e: {  	_ =	swait.ge [sflag:s22], $0x4000  }
0x4f: {  	[sflag:s22] =	ssyncset.done $0x0  }
0x50: {  	s30 =	sadd.s32 $0x1000, s30;
	[sflag:s22] =	ssyncadd.s32 $0xFFFFC000  }
0x51: {  	[hbm4b:s30+s2] =	stream.linear.scatter [tilespmem:s18], [sflag:$0x5], $0x4000, $0x38;
	[tilespmem:$0x11400] =	vst v63  }
0x52: {  	_ =	swait.ge [sflag:s13], $0x4000  }
0x53: {  	[sflag:s13] =	ssyncset.done $0x0  }
0x54: {  	s30 =	sadd.s32 $0x100, s28;
	[sflag:s13] =	ssyncadd.s32 $0xFFFFC000  }
0x55: {  	[tilespmem:s16], [sflag:$0x2] =	stream.indirect.gather [hbm4b:s3+s14], $0x80, s30, s14, $0xb8;
	[tilespmem:$0x11400] =	vst v63  }
0x56: {  	_ =	swait.ge [sflag:s23], $0x4000  }
0x57: {  	[sflag:s23] =	ssyncset.done $0x0  }
.Ltmp0:
0x58: {  	s29 =	sadd.s32 s29, s12;
	[sflag:s23] =	ssyncadd.s32 $0xFFFFC000;
	(pc) =	sbr.rel @p0 .LBB2_2-.Ltmp0, $4  }
0x59: {  	[hbm4b:s29+s2] =	stream.linear.scatter [tilespmem:s20], [sflag:$0x5], $0x4000, $0x38;
	[tilespmem:$0x11400] =	vst v63  }
0x5a: {  	_ =	swait.ge [sflag:s13], $0x4000  }
0x5b: {  	[sflag:s13] =	ssyncset.done $0x0  }
0x5c: {  	s29 =	sadd.s32 $0x180, s28;
	s28 =	sadd.s32 $0x200, s28;
	[sflag:s13] =	ssyncadd.s32 $0xFFFFC000  }
0x5d: {  	[tilespmem:s18], [sflag:$0x3] =	stream.indirect.gather [hbm4b:s3+s14], $0x80, s29, s14, $0xb8;
	[tilespmem:$0x11400] =	vst v63  }
0x5e: {  	_ =	swait.ge [sflag:s19], $0x4000  }
0x5f: {  	[sflag:s19] =	ssyncset.done $0x0  }
0x60: {  	[sflag:s19] =	ssyncadd.s32 $0xFFFFC000  }
0x61: {  	[hbm4b:s6+s2] =	stream.linear.scatter [tilespmem:s15], [sflag:$0x5], $0x4000, $0x38;
	[tilespmem:$0x11400] =	vst v63  }
0x62: {  	_ =	swait.ge [sflag:s13], $0x4000  }
0x63: {  	[sflag:s13] =	ssyncset.done $0x0  }
0x64: {  	[sflag:s13] =	ssyncadd.s32 $0xFFFFC000  }
0x65: {  	[tilespmem:s20], [sflag:$0x4] =	stream.indirect.gather [hbm4b:s3+s14], $0x80, s24, s14, $0xb8;
	[tilespmem:$0x11400] =	vst v63  }
0x66: {  	_ =	swait.ge [sflag:s21], $0x4000  }
0x67: {  	[sflag:s21] =	ssyncset.done $0x0  }
0x68: {  	[sflag:s21] =	ssyncadd.s32 $0xFFFFC000  }
0x69: {  	[hbm4b:s7+s2] =	stream.linear.scatter [tilespmem:s16], [sflag:$0x5], $0x4000, $0x38;
	[tilespmem:$0x11400] =	vst v63  }
0x6a: {  	_ =	swait.ge [sflag:s13], $0x4000  }
0x6b: {  	[sflag:s13] =	ssyncset.done $0x0  }
0x6c: {  	[sflag:s13] =	ssyncadd.s32 $0xFFFFC000  }
0x6d: {  	_ =	swait.ge [sflag:s22], $0x4000  }
0x6e: {  	[sflag:s22] =	ssyncset.done $0x0  }
0x6f: {  	[sflag:s22] =	ssyncadd.s32 $0xFFFFC000  }
0x70: {  	[hbm4b:s8+s2] =	stream.linear.scatter [tilespmem:s18], [sflag:$0x5], $0x4000, $0x38;
	[tilespmem:$0x11400] =	vst v63  }
0x71: {  	_ =	swait.ge [sflag:s13], $0x4000  }
0x72: {  	[sflag:s13] =	ssyncset.done $0x0  }
0x73: {  	[sflag:s13] =	ssyncadd.s32 $0xFFFFC000  }
0x74: {  	s25 =	sadd.s32 $0x1, s25;
	_ =	swait.ge [sflag:s23], $0x4000  }
0x75: {  	p0 =	sne.s32 s25, s5;
	[sflag:s23] =	ssyncset.done $0x0  }
.Ltmp1:
0x76: {  	[sflag:s23] =	ssyncadd.s32 $0xFFFFC000;
	(pc) =	sbr.rel @p0 .LBB2_1-.Ltmp1, $4  }
0x77: {  	[hbm4b:s9+s2] =	stream.linear.scatter [tilespmem:s20], [sflag:$0x5], $0x4000, $0x38;
	[tilespmem:$0x11400] =	vst v63  }
0x78: {  	_ =	swait.ge [sflag:s13], $0x4000  }
0x79: {  	[sflag:s13] =	ssyncset.done $0x0  }
0x7a: {  	[sflag:s13] =	ssyncadd.s32 $0xFFFFC000  }
0x7b: {  	_ =	sfence.sel $0x180000  }
0x7c: {  	[bflag:$0x0] =	sbarrier.arrive $0xFFFF  }
0x7d: {  	p0 =	sne.s32 s0, $0x0;
	_ =	strace $0x90000047  }
0x7e: {  	s0 =	sadd.s32 @!p0 $0x100000, s1;
	[bflag:$0x2] =	sbarrier.arrive $0xFFFF  }
0x7f: {  	[sflag:s0] =	ssyncadd.tile.s32 @!p0 $0x1;
	_ =	shalt  }
.Lfunc_end2:
_tile_overlayer_lowered:
.L_overlay_start_2:
0x80: {  	(tag) =	ssettag $0x2  }
0x81: {  	s0 =	rddreg [dreg:$0x0];
	s2 =	stileid.u32  }
0x82: {  	s1 =	rddreg [dreg:$0x1];
	p0 =	sne.s32 s2, $0x0  }
0x83: {  	s3 =	rddreg [dreg:$0x2];
	[bflag:$0x3] =	sbarrier.arrive $0xFFFF;
	s2 =	simm.s32 @!p0 $0x1C05  }
0x84: {  	[timem:s3], [sflag:s2] =	dma.local @!p0 [hbm:s0], s1  }
0x85: {  	s0 =	simm.s32 @!p0 $0x5  }
0x86: {  	_ =	swait.ge @!p0 [sflag:s0], s1  }
0x87: {  	s1 =	ssub.s32 @!p0 $0x0, s1;
	[sflag:s0] =	ssyncset.done @!p0 $0x0  }
0x88: {  	[sflag:s0] =	ssyncadd.s32 @!p0 s1  }
0x89: {  	[bflag:$0x3] =	sbarrier.arrive $0xFFFF  }
0x8a: {  	_ =	shalt  }

// kernel: kernel.14.cloned.1.call-start
scs
__scs_entry_jumppad:
0x0: {  	(pc) =	sbr.rel $0x88, $3  }
0x1: {  	(tag) =	ssettag $0x0;
	lr =	simm.s32 $0x1  }
0x2: {  	[smem:$0x3F8B] =	sst lr;
	_ =	strace $0xD0000000  }
0x3: {  	_ = 	snop  }
0x4: {  	_ = 	snop  }
0x5: {  	_ = 	snop  }
0x6: {  	_ = 	snop  }
0x7: {  	_ = 	snop  }
__scs_overlays_trampoline_lowered:
0x8: {  	[smem:$0x3F9A] =	sst s0  }
0x9: {  	[smem:$0x3F9B] =	sst s1  }
0xa: {  	[smem:$0x3F9C] =	sst s2  }
0xb: {  	[smem:$0x3F9D] =	sst s3  }
0xc: {  	[smem:$0x3F9E] =	sst s4  }
0xd: {  	[smem:$0x3F9F] =	sst s5  }
0xe: {  	[smem:$0x3FA0] =	sst s6  }
0xf: {  	[smem:$0x3FA1] =	sst s7  }
0x10: {  	[smem:$0x3FA2] =	sst s8  }
0x11: {  	[smem:$0x3FA3] =	sst s9;
	s0 =	simm.s32 @!p0 $0x0  }
0x12: {  	s1 =	sld [smem:$0x3F89];
	s0 =	simm.s32 @p0 $0x1  }
0x13: {  	[smem:$0x3FA4] =	sst s0;
	s0 =	simm.s32 @!p1 $0x0  }
0x14: {  	s2 =	sld [smem:$0x3F88];
	s0 =	simm.s32 @p1 $0x1  }
0x15: {  	[smem:$0x3FA5] =	sst s0;
	s0 =	simm.s32 @!p2 $0x0  }
0x16: {  	s3 =	sld [smem:$0x3FDB];
	s0 =	simm.s32 @p2 $0x1  }
0x17: {  	s4 =	simm.s32 $0x1BF5;
	[smem:$0x3FA7] =	sst s0  }
0x18: {  	s0 =	sld [smem:$0x3F8A];
	_ =	swait.ge [sflag:s4], $0x0  }
0x19: {  	s7 =	sld [smem:$0x3F8B]  }
0x1a: {  	s8 =	sadd.s32 $0xFFFFE003, lr  }
0x1b: {  	s9 =	sadd.s32 $0xFFFFFEF7, lr;
	s5 =	simm.s32 $0xFFFFFFFF;
	p2 =	slt.u32 s8, $0xFFFFF086  }
0x1c: {  	p1 =	slt.u32 s9, $0xF7A;
	s5 =	simm.s32 @!p2 $0x0  }
0x1d: {  	s5 =	simm.s32 @p1 $0x1;
	p0 =	seq.s32 s7, s2  }
0x1e: {  	s7 =	smul.u32 @!p0 $0xF7A, s2;
	p2 =	seq.s32 @!p0 s5, $0x0  }
0x1f: {  	s9 =	smul.u32 $0xF7A, s1;
	s8 =	simm.s32 @!p0 $0x1BF5;
	p2 =	por !p2, p0  }
0x20: {  	[sflag:s8] =	ssyncset.s32 @!p0 $0xFFFFF086;
	s6 =	sadd.s32 @!p0 s3, s7;
	s7 =	simm.s32 @!p0 $0x108  }
0x21: {  	s3 =	sadd.s32 s3, s9;
	s6 =	sadd.s32 @!p0 $0x88, s6;
	s7 =	simm.s32 @p2 $0x1082  }
0x22: {  	[simem:s7], [sflag:s8] =	dma.local @!p0 [hbm:s6], $0xF7A  }
0x23: {  	s9 =	sor.u32 $0xD0000000, s2;
	s6 =	simm.s32 $0x108;
	_ =	swait.ge @!p0 [sflag:s8], $0x0  }
0x24: {  	s3 =	sadd.s32 $0x88, s3;
	s6 =	simm.s32 @!p1 $0x1082;
	[sflag:s4] =	ssyncset.s32 $0xFFFFF086  }
0x25: {  	[simem:s6], [sflag:s4] =	dma.local [hbm:s3], $0xF7A  }
0x26: {  	[smem:$0x3F8B] =	sst s1;
	(tag) =	ssettag s2;
	_ =	strace s9  }
0x27: {  	s1 =	sld [smem:$0x3F9B]  }
0x28: {  	s2 =	sld [smem:$0x3F9C]  }
0x29: {  	s4 =	sld [smem:$0x3F9E]  }
0x2a: {  	p0 =	seq.s32 s5, $0x0;
	s5 =	sld [smem:$0x3F9F]  }
0x2b: {  	s6 =	sld [smem:$0x3FA0]  }
0x2c: {  	s7 =	sld [smem:$0x3FA1]  }
0x2d: {  	s3 =	simm.s32 $0x108;
	s8 =	sld [smem:$0x3FA2]  }
0x2e: {  	s3 =	simm.s32 @!p0 $0x1082;
	s9 =	sld [smem:$0x3FA3]  }
0x2f: {  	lr =	sadd.s32 s0, s3;
	s0 =	sld [smem:$0x3F9A]  }
0x30: {  	s3 =	sld [smem:$0x3F9D]  }
0x31: {  	[smem:$0x3FA6] =	sst s10  }
0x32: {  	s10 =	sld [smem:$0x3FA4];
	_ =	sdelay $0x3  }
0x33: {  	p0 =	seq.s32 s10, $0x1;
	s10 =	sld [smem:$0x3FA6];
	_ =	sdelay $0x3  }
0x34: {  	[smem:$0x3FA6] =	sst s10  }
0x35: {  	s10 =	sld [smem:$0x3FA5];
	_ =	sdelay $0x3  }
0x36: {  	p1 =	seq.s32 s10, $0x1;
	s10 =	sld [smem:$0x3FA6];
	_ =	sdelay $0x3  }
0x37: {  	[smem:$0x3FA6] =	sst s10  }
0x38: {  	s10 =	sld [smem:$0x3FA7]  }
0x39: {  	_ = 	snop;
	(pc) =	sbr.ind lr, $3  }
0x3a: {  	_ = 	snop  }
0x3b: {  	_ = 	snop  }
0x3c: {  	p2 =	seq.s32 s10, $0x1;
	s10 =	sld [smem:$0x3FA6]  }
0x3d: {  	_ =	shalt  }
0x3e: {  	_ =	shalt  }
0x3f: {  	_ =	shalt  }
0x40: {  	_ =	shalt  }
0x41: {  	_ =	shalt  }
0x42: {  	_ =	shalt  }
0x43: {  	_ =	shalt  }
0x44: {  	_ =	shalt  }
0x45: {  	_ =	shalt  }
0x46: {  	_ =	shalt  }
0x47: {  	_ =	shalt  }
0x48: {  	_ =	shalt  }
0x49: {  	_ =	shalt  }
0x4a: {  	_ =	shalt  }
0x4b: {  	_ =	shalt  }
0x4c: {  	_ =	shalt  }
0x4d: {  	_ =	shalt  }
0x4e: {  	_ =	shalt  }
0x4f: {  	_ =	shalt  }
0x50: {  	_ =	shalt  }
0x51: {  	_ =	shalt  }
0x52: {  	_ =	shalt  }
0x53: {  	_ =	shalt  }
0x54: {  	_ =	shalt  }
0x55: {  	_ =	shalt  }
0x56: {  	_ =	shalt  }
0x57: {  	_ =	shalt  }
0x58: {  	_ =	shalt  }
0x59: {  	_ =	shalt  }
0x5a: {  	_ =	shalt  }
0x5b: {  	_ =	shalt  }
0x5c: {  	_ =	shalt  }
0x5d: {  	_ =	shalt  }
0x5e: {  	_ =	shalt  }
0x5f: {  	_ =	shalt  }
0x60: {  	_ =	shalt  }
0x61: {  	_ =	shalt  }
0x62: {  	_ =	shalt  }
0x63: {  	_ =	shalt  }
0x64: {  	_ =	shalt  }
0x65: {  	_ =	shalt  }
0x66: {  	_ =	shalt  }
0x67: {  	_ =	shalt  }
0x68: {  	_ =	shalt  }
0x69: {  	_ =	shalt  }
0x6a: {  	_ =	shalt  }
0x6b: {  	_ =	shalt  }
0x6c: {  	_ =	shalt  }
0x6d: {  	_ =	shalt  }
0x6e: {  	_ =	shalt  }
0x6f: {  	_ =	shalt  }
0x70: {  	_ =	shalt  }
0x71: {  	_ =	shalt  }
0x72: {  	_ =	shalt  }
0x73: {  	_ =	shalt  }
0x74: {  	_ =	shalt  }
0x75: {  	_ =	shalt  }
0x76: {  	_ =	shalt  }
0x77: {  	_ =	shalt  }
0x78: {  	_ =	shalt  }
0x79: {  	_ =	shalt  }
0x7a: {  	_ =	shalt  }
0x7b: {  	_ =	shalt  }
0x7c: {  	_ =	shalt  }
0x7d: {  	_ =	shalt  }
0x7e: {  	_ =	shalt  }
0x7f: {  	_ =	shalt  }
0x80: {  	_ =	shalt  }
0x81: {  	_ =	shalt  }
0x82: {  	_ =	shalt  }
0x83: {  	_ =	shalt  }
0x84: {  	_ =	shalt  }
0x85: {  	_ =	shalt  }
0x86: {  	_ =	shalt  }
0x87: {  	_ =	shalt  }
.Lfunc_end0:
.L_simem_size_0:
called_computation.1_lowered:
.L_overlay_start_0:
0x88: {  	s2 =	sld [smem:$0x3FD9]  }
0x89: {  	s3 =	sld [smem:$0x3FFE];
	_ =	sdelay $0x1  }
0x8a: {  	s1 =	srdreg.scid  }
0x8b: {  	s0 =	sand.u32 $0x1, s1  }
0x8c: {  	s16 =	sshll.u32 s0, $0xA;
	s2 =	sadd.s32 s3, s2  }
0x8d: {  	s2 =	sadd.s32 s2, s16  }
0x8e: {  	[smem:$0x3FB2] =	sst s2  }
0x8f: {  	_ = 	snop  }
0x90: {  	(tm) =	ssettm $0x1  }
0x91: {  	s17 =	sld [smem:$0x3FFB];
	_ =	sdelay $0x3  }
0x92: {  	_ =	strace s17  }
0x93: {  	s2 =	sld [smem:$0x3FFC];
	_ =	sdelay $0x3  }
0x94: {  	_ =	strace s2  }
0x95: {  	s2 =	sld [smem:$0x3FFD];
	_ =	sdelay $0x3  }
0x96: {  	_ =	strace s2  }
0x97: {  	_ =	strace $0x8FFFFFFF  }
0x98: {  	s18 =	sld [smem:$0x3FDB];
	_ =	sdelay $0x1  }
0x99: {  	s19 =	simm.s32 $_scs_section_size  }
0x9a: {  	s4 =	simm.s32 $_size__tile_overlayer_lowered;
	s5 =	simm.s32 $_tile_overlayer_lowered  }
0x9b: {  	s22 =	simm.s32 $0x1BFF;
	s21 =	sshll.u32 s5, $0x1;
	s2 =	sadd.s32 s19, s18  }
0x9c: {  	s6 =	simm.s32 $0x0;
	s20 =	sshll.u32 s4, $0x1;
	s4 =	sadd.s32 s21, s2  }
0x9d: {  	[timem:s6], [sflag:s22] =	dma.local [hbm:s4], s20  }
0x9e: {  	_ =	swait.ge [sflag:s22], s20  }
0x9f: {  	s3 =	ssub.s32 $0x0, s20;
	[sflag:s22] =	ssyncset.done $0x0  }
0xa0: {  	[sflag:s22] =	ssyncadd.s32 s3;
	_ =	sdelay $0x1  }
0xa1: {  	s23 =	simm.s32 $0x1B8B  }
0xa2: {  	_ =	swait.ge [sflag:s23], $0x1  }
0xa3: {  	[sflag:s23] =	ssyncset.done $0x0  }
0xa4: {  	s25 =	simm.s32 $0x1B8E;
	s24 =	sld [smem:$0x3FFE];
	[sflag:s23] =	ssyncadd.s32 $0xFFFFFFFF  }
0xa5: {  	s26 =	simm.s32 $execute0_lowered;
	[smem:$0x3FD2] =	sst s25  }
0xa6: {  	s4 =	sshll.u32 s26, $0x1;
	_ =	strace $0x80000049;
	[dreg:$0x1] =	wrdreg $0xFFFFFFFF  }
0xa7: {  	s28 =	simm.s32 $_size_execute0_lowered;
	s2 =	sadd.s32 s2, s4;
	[dreg:$0x0] =	wrdreg $0x0  }
0xa8: {  	s4 =	sshll.u32 s28, $0x1;
	[dreg:$0x2] =	wrdreg s2  }
0xa9: {  	[dreg:$0x3] =	wrdreg s4  }
0xaa: {  	[dreg:$0x4] =	wrdreg $0xC0  }
0xab: {  	_ =	task [dreg:s6], $0x5FFFF  }
0xac: {  	[dreg:$0x1] =	wrdreg $0xFFFFFFFF  }
0xad: {  	[dreg:$0x0] =	wrdreg $0x60  }
0xae: {  	[dreg:$0x2] =	wrdreg s24  }
0xaf: {  	[dreg:$0x3] =	wrdreg $0x54000  }
0xb0: {  	[dreg:$0x4] =	wrdreg $0x9  }
0xb1: {  	_ =	task.clear_ibuf [dreg:s6], $0x5FFFF;
	_ =	strace $0x90000049  }
0xb2: {  	s29 =	simm.s32 $0x9;
	_ =	strace $0x8000004B  }
0xb3: {  	_ =	swait.ge [sflag:s29], $0x1  }
0xb4: {  	[sflag:s29] =	ssyncadd.s32 $0xFFFFFFFF  }
0xb5: {  	_ =	strace $0x9000004B  }
0xb6: {  	_ =	sfence  }
0xb7: {  	s30 =	sld [smem:$0x0];
	_ =	sdelay $0x2  }
0xb8: {  	s31 =	sshll.u32 s1, $0xD;
	s1 =	sshrl.u32 s1, $0x2  }
0xb9: {  	s3 =	sand.u32 $0x4000, s31;
	s1 =	sadd.s32 s1, s30  }
0xba: {  	s0 =	sor.u32 s3, s0;
	s1 =	sshll.u32 s1, $0x11  }
0xbb: {  	s0 =	sor.u32 s1, s0  }
0xbc: {  	s0 =	sadd.s32 $0x8F2B, s0  }
0xbd: {  	[sflag:s0] =	ssyncadd.remote.s32 $0x1  }
0xbe: {  	_ =	sfence.sel $0xFFFF  }
0xbf: {  	[dreg:$0x0] =	wrdreg $0xFFFFFFFF;
	(pc) =	sbr.abs _section_cstart, $3  }
0xc0: {  	[dreg:$0x1] =	wrdreg $0xFFFFFFFF  }
0xc1: {  	_ =	task.clear_ibuf [dreg:s6], $0x2FFFF;
	_ =	strace $0x9FFFFFFF  }
0xc2: {  	(tm) =	ssettm $0x7FFFFFFF  }
0xc3: {  	_ =	shalt  }
tec
execute0_lowered:
.L_overlay_start_1:
0x0: {  	(tag) =	ssettag $0x1  }
0x1: {  	s4 =	rddreg [dreg:$0x0]  }
0x2: {  	s2 =	rddreg [dreg:$0x1]  }
0x3: {  	s1 =	stileid.u32;
	s3 =	srdreg.scid  }
0x4: {  	s0 =	rddreg [dreg:$0x2];
	s13 =	simm.s32 $0x1;
	s14 =	simm.s32 $0x1400  }
0x5: {  	s15 =	simm.s32 $0x80;
	s18 =	simm.s32 $0x0;
	s5 =	smul.u32 $0x28000, s1  }
0x6: {  	s6 =	sand.u32 $0x1, s3;
	s3 =	simm.s32 $0x0;
	s9 =	smul.u32 $0x14000, s1  }
0x7: {  	s7 =	sshll.u32 s1, $0x1;
	s31 =	smul.u32 $0x50000, s1;
	s16 =	sshll.u32 s1, $0x6  }
0x8: {  	s8 =	smul.u32 $0x140000, s6;
	[smem:$0x7FF] =	sst s3;
	s7 =	sor.u32 s6, s7  }
0x9: {  	s30 =	ssub.s32 $0x2, s6;
	s12 =	smul.u32 $0x14000, s6;
	s16 =	sor.u32 $0x1C01, s16  }
0xa: {  	_ =	strace $0x8000004A;
	s11 =	sadd.s32 s5, s4;
	s10 =	sshrl.u32 s30, $0x1  }
0xb: {  	s28 =	smul.u32 $0x280, s7;
	s29 =	sadd.s32 s9, s8;
	s8 =	ssub.s32 s30, s10  }
0xc: {  	s9 =	sshrl.u32 s31, $0x2;
	s12 =	sadd.s32 s12, s11;
	s7 =	sshrl.u32 s29, $0x3  }
0xd: {  	s5 =	sadd.s32 s28, s4;
	s12 =	sadd.s32 $0x7A7C00, s12;
	s7 =	sadd.s32 s7, s4  }
0xe: {  	s4 =	sadd.s32 $0x2B8600, s5;
	s5 =	sadd.s32 s9, s2;
	s6 =	sadd.s32 $0x2BD600, s7  }
0xf: {  	s7 =	smax.u32 s8, $0x1;
	s8 =	sadd.s32 $0x4000, s5;
	s9 =	sadd.s32 $0x8000, s5  }
0x10: {  	v0 =	vimm.f32 $0.0e+00;
	s10 =	sadd.s32 $0xC000, s5;
	s11 =	sadd.s32 $0x10000, s5;
	s17 =	sshrl.u32 s5, $0x3  }
.LBB2_1:
0x11: {  	[tilespmem:s3], [sflag:$0x1] =	stream.linear.gather [hbm4b:s4+s3], $0x1400, $0x38;
	[tilespmem:$0x19400] =	vst v63  }
0x12: {  	s19 =	sand.u32 $0xFE00, s3;
	s20 =	sand.u32 $0x70, s3;
	_ =	swait.ge [sflag:s13], $0x1400  }
0x13: {  	s21 =	sshrl.u32 s19, $0x2;
	s19 =	simm.s32 $0x40;
	[sflag:s13] =	ssyncset.done $0x0  }
0x14: {  	s21 =	sor.u32 s20, s21;
	s20 =	simm.s32 $0x0;
	[sflag:s13] =	ssyncadd.s32 $0xFFFFEC00  }
.LBB2_2:
0x15: {  	p0 =	sne.s32 s19, $0xFFC0  }
0x16: {  	[tilespmem:s21+$0x1400] =	vst v0;
	s20 =	sadd.s32 $0x10, s20;
	s21 =	smov.u32 s19;
	s19 =	sadd.s32 $0x40, s19  }
.Ltmp0:
0x17: {  	(pc) =	sbr.rel @p0 .LBB2_2-.Ltmp0, $4  }
0x18: {  	_ = 	snop  }
0x19: {  	s21 =	sand.u32 $0xFE00, s21  }
0x1a: {  	s22 =	sand.u32 $0x70, s20;
	s21 =	sshrl.u32 s21, $0x2  }
0x1b: {  	s21 =	sor.u32 s22, s21  }
0x1c: {  	[tilespmem:s21+$0x1400] =	vst v0  }
0x1d: {  	[spmem:s5] =	stream.linear.scatter [tilespmem:s14], [sflag:$0x1], $0x4000, $0x38;
	[tilespmem:$0x19400] =	vst v63  }
0x1e: {  	_ =	swait.ge [sflag:s13], $0x4000  }
0x1f: {  	[sflag:s13] =	ssyncset.done $0x0  }
0x20: {  	[sflag:s13] =	ssyncadd.s32 $0xFFFFC000  }
0x21: {  	[spmem:s8] =	stream.linear.scatter [tilespmem:s14], [sflag:$0x1], $0x4000, $0x38;
	[tilespmem:$0x19400] =	vst v63  }
0x22: {  	_ =	swait.ge [sflag:s13], $0x4000  }
0x23: {  	[sflag:s13] =	ssyncset.done $0x0  }
0x24: {  	[sflag:s13] =	ssyncadd.s32 $0xFFFFC000  }
0x25: {  	[spmem:s9] =	stream.linear.scatter [tilespmem:s14], [sflag:$0x1], $0x4000, $0x38;
	[tilespmem:$0x19400] =	vst v63  }
0x26: {  	_ =	swait.ge [sflag:s13], $0x4000  }
0x27: {  	[sflag:s13] =	ssyncset.done $0x0  }
0x28: {  	[sflag:s13] =	ssyncadd.s32 $0xFFFFC000  }
0x29: {  	[spmem:s10] =	stream.linear.scatter [tilespmem:s14], [sflag:$0x1], $0x4000, $0x38;
	[tilespmem:$0x19400] =	vst v63  }
0x2a: {  	_ =	swait.ge [sflag:s13], $0x4000  }
0x2b: {  	[sflag:s13] =	ssyncset.done $0x0  }
0x2c: {  	[sflag:s13] =	ssyncadd.s32 $0xFFFFC000  }
0x2d: {  	[spmem:s11] =	stream.linear.scatter [tilespmem:s14], [sflag:$0x1], $0x4000, $0x38;
	[tilespmem:$0x19400] =	vst v63  }
0x2e: {  	_ =	swait.ge [sflag:s13], $0x4000  }
0x2f: {  	[sflag:s13] =	ssyncset.done $0x0  }
0x30: {  	[sflag:s13] =	ssyncadd.s32 $0xFFFFC000  }
0x31: {  	[bflag:$0x0] =	sbarrier.arrive $0xFFFF  }
0x32: {  	[tilespmem:s14], [sflag:$0x1] =	stream.linear.gather [hbm4b:s12+s3], $0x4000, $0x38;
	[tilespmem:$0x19400] =	vst v63  }
0x33: {  	_ =	swait.ge [sflag:s13], $0x4000  }
0x34: {  	[sflag:s13] =	ssyncset.done $0x0  }
0x35: {  	s19 =	simm.s32 $0x0;
	[sflag:s13] =	ssyncadd.s32 $0xFFFFC000  }
0x36: {  	[spmem:s2] =	stream.indirect.scatter.add.f32 [tilespmem:s14], [sflag:$0x1], $0x80, s19, s15, $0xb8;
	[tilespmem:$0x19400] =	vst v63  }
0x37: {  	_ =	swait.ge [sflag:s13], $0x4000  }
0x38: {  	s20 =	smov.u32 s12;
	s19 =	simm.s32 $0x200;
	[sflag:s13] =	ssyncset.done $0x0  }
.LBB2_4:
0x39: {  	p0 =	sne.s32 s19, $0x4E00;
	[sflag:s13] =	ssyncadd.s32 $0xFFFFC000;
	s20 =	sadd.s32 $0x800, s20  }
0x3a: {  	[tilespmem:s14], [sflag:$0x1] =	stream.linear.gather [hbm4b:s20+s3], $0x4000, $0x38;
	[tilespmem:$0x19400] =	vst v63  }
0x3b: {  	s21 =	smov.u32 s19;
	s19 =	sadd.s32 $0x200, s19;
	_ =	swait.ge [sflag:s13], $0x4000  }
.Ltmp1:
0x3c: {  	[sflag:s13] =	ssyncset.done $0x0;
	(pc) =	sbr.rel @p0 .LBB2_4-.Ltmp1, $4  }
0x3d: {  	s21 =	sshra.s32 s21, $0x2;
	[sflag:s13] =	ssyncadd.s32 $0xFFFFC000  }
0x3e: {  	[spmem:s2] =	stream.indirect.scatter.add.f32 [tilespmem:s14], [sflag:$0x1], $0x80, s21, s15, $0xb8;
	[tilespmem:$0x19400] =	vst v63  }
0x3f: {  	_ =	swait.ge [sflag:s13], $0x4000  }
0x40: {  	[sflag:s13] =	ssyncset.done $0x0  }
0x41: {  	s18 =	sadd.s32 $0x1, s18  }
0x42: {  	[sflag:s13] =	ssyncadd.s32 $0xFFFFC000;
	p0 =	sne.s32 s18, s7  }
.Ltmp2:
0x43: {  	[bflag:$0x0] =	sbarrier.arrive $0xFFFF;
	(pc) =	sbr.rel @p0 .LBB2_1-.Ltmp2, $4  }
0x44: {  	[hbm:s6], [sflag:s16] =	dma.local [spmem:s17], $0x2800  }
0x45: {  	_ =	swait.ge [sflag:s13], $0x2800  }
0x46: {  	[sflag:s13] =	ssyncset.done $0x0  }
0x47: {  	[sflag:s13] =	ssyncadd.s32 $0xFFFFD800  }
0x48: {  	_ =	sfence.sel $0x180000  }
0x49: {  	[bflag:$0x0] =	sbarrier.arrive $0xFFFF  }
0x4a: {  	p0 =	sne.s32 s1, $0x0;
	_ =	strace $0x9000004A  }
0x4b: {  	s0 =	sadd.s32 @!p0 $0x100000, s0;
	[bflag:$0x2] =	sbarrier.arrive $0xFFFF  }
0x4c: {  	[sflag:s0] =	ssyncadd.tile.s32 @!p0 $0x1;
	_ =	shalt  }
.Lfunc_end2:
_tile_overlayer_lowered:
.L_overlay_start_2:
0x4d: {  	(tag) =	ssettag $0x2  }
0x4e: {  	s0 =	rddreg [dreg:$0x0];
	s2 =	stileid.u32  }
0x4f: {  	s1 =	rddreg [dreg:$0x1];
	p0 =	sne.s32 s2, $0x0  }
0x50: {  	s3 =	rddreg [dreg:$0x2];
	[bflag:$0x3] =	sbarrier.arrive $0xFFFF;
	s2 =	simm.s32 @!p0 $0x1C01  }
0x51: {  	[timem:s3], [sflag:s2] =	dma.local @!p0 [hbm:s0], s1  }
0x52: {  	s0 =	simm.s32 @!p0 $0x1  }
0x53: {  	_ =	swait.ge @!p0 [sflag:s0], s1  }
0x54: {  	s1 =	ssub.s32 @!p0 $0x0, s1;
	[sflag:s0] =	ssyncset.done @!p0 $0x0  }
0x55: {  	[sflag:s0] =	ssyncadd.s32 @!p0 s1  }
0x56: {  	[bflag:$0x3] =	sbarrier.arrive $0xFFFF  }
0x57: {  	_ =	shalt  }

// kernel: kernel.17.cloned.1.call-start
scs
__scs_entry_jumppad:
0x0: {  	(pc) =	sbr.rel $0x88, $3  }
0x1: {  	(tag) =	ssettag $0x0;
	lr =	simm.s32 $0x1  }
0x2: {  	[smem:$0x3F8B] =	sst lr;
	_ =	strace $0xD0000000  }
0x3: {  	_ = 	snop  }
0x4: {  	_ = 	snop  }
0x5: {  	_ = 	snop  }
0x6: {  	_ = 	snop  }
0x7: {  	_ = 	snop  }
__scs_overlays_trampoline_lowered:
0x8: {  	[smem:$0x3F9A] =	sst s0  }
0x9: {  	[smem:$0x3F9B] =	sst s1  }
0xa: {  	[smem:$0x3F9C] =	sst s2  }
0xb: {  	[smem:$0x3F9D] =	sst s3  }
0xc: {  	[smem:$0x3F9E] =	sst s4  }
0xd: {  	[smem:$0x3F9F] =	sst s5  }
0xe: {  	[smem:$0x3FA0] =	sst s6  }
0xf: {  	[smem:$0x3FA1] =	sst s7  }
0x10: {  	[smem:$0x3FA2] =	sst s8  }
0x11: {  	[smem:$0x3FA3] =	sst s9;
	s0 =	simm.s32 @!p0 $0x0  }
0x12: {  	s1 =	sld [smem:$0x3F89];
	s0 =	simm.s32 @p0 $0x1  }
0x13: {  	[smem:$0x3FA4] =	sst s0;
	s0 =	simm.s32 @!p1 $0x0  }
0x14: {  	s2 =	sld [smem:$0x3F88];
	s0 =	simm.s32 @p1 $0x1  }
0x15: {  	[smem:$0x3FA5] =	sst s0;
	s0 =	simm.s32 @!p2 $0x0  }
0x16: {  	s3 =	sld [smem:$0x3FDB];
	s0 =	simm.s32 @p2 $0x1  }
0x17: {  	s4 =	simm.s32 $0x1BF5;
	[smem:$0x3FA7] =	sst s0  }
0x18: {  	s0 =	sld [smem:$0x3F8A];
	_ =	swait.ge [sflag:s4], $0x0  }
0x19: {  	s7 =	sld [smem:$0x3F8B]  }
0x1a: {  	s8 =	sadd.s32 $0xFFFFE003, lr  }
0x1b: {  	s9 =	sadd.s32 $0xFFFFFEF7, lr;
	s5 =	simm.s32 $0xFFFFFFFF;
	p2 =	slt.u32 s8, $0xFFFFF086  }
0x1c: {  	p1 =	slt.u32 s9, $0xF7A;
	s5 =	simm.s32 @!p2 $0x0  }
0x1d: {  	s5 =	simm.s32 @p1 $0x1;
	p0 =	seq.s32 s7, s2  }
0x1e: {  	s7 =	smul.u32 @!p0 $0xF7A, s2;
	p2 =	seq.s32 @!p0 s5, $0x0  }
0x1f: {  	s9 =	smul.u32 $0xF7A, s1;
	s8 =	simm.s32 @!p0 $0x1BF5;
	p2 =	por !p2, p0  }
0x20: {  	[sflag:s8] =	ssyncset.s32 @!p0 $0xFFFFF086;
	s6 =	sadd.s32 @!p0 s3, s7;
	s7 =	simm.s32 @!p0 $0x108  }
0x21: {  	s3 =	sadd.s32 s3, s9;
	s6 =	sadd.s32 @!p0 $0x88, s6;
	s7 =	simm.s32 @p2 $0x1082  }
0x22: {  	[simem:s7], [sflag:s8] =	dma.local @!p0 [hbm:s6], $0xF7A  }
0x23: {  	s9 =	sor.u32 $0xD0000000, s2;
	s6 =	simm.s32 $0x108;
	_ =	swait.ge @!p0 [sflag:s8], $0x0  }
0x24: {  	s3 =	sadd.s32 $0x88, s3;
	s6 =	simm.s32 @!p1 $0x1082;
	[sflag:s4] =	ssyncset.s32 $0xFFFFF086  }
0x25: {  	[simem:s6], [sflag:s4] =	dma.local [hbm:s3], $0xF7A  }
0x26: {  	[smem:$0x3F8B] =	sst s1;
	(tag) =	ssettag s2;
	_ =	strace s9  }
0x27: {  	s1 =	sld [smem:$0x3F9B]  }
0x28: {  	s2 =	sld [smem:$0x3F9C]  }
0x29: {  	s4 =	sld [smem:$0x3F9E]  }
0x2a: {  	p0 =	seq.s32 s5, $0x0;
	s5 =	sld [smem:$0x3F9F]  }
0x2b: {  	s6 =	sld [smem:$0x3FA0]  }
0x2c: {  	s7 =	sld [smem:$0x3FA1]  }
0x2d: {  	s3 =	simm.s32 $0x108;
	s8 =	sld [smem:$0x3FA2]  }
0x2e: {  	s3 =	simm.s32 @!p0 $0x1082;
	s9 =	sld [smem:$0x3FA3]  }
0x2f: {  	lr =	sadd.s32 s0, s3;
	s0 =	sld [smem:$0x3F9A]  }
0x30: {  	s3 =	sld [smem:$0x3F9D]  }
0x31: {  	[smem:$0x3FA6] =	sst s10  }
0x32: {  	s10 =	sld [smem:$0x3FA4];
	_ =	sdelay $0x3  }
0x33: {  	p0 =	seq.s32 s10, $0x1;
	s10 =	sld [smem:$0x3FA6];
	_ =	sdelay $0x3  }
0x34: {  	[smem:$0x3FA6] =	sst s10  }
0x35: {  	s10 =	sld [smem:$0x3FA5];
	_ =	sdelay $0x3  }
0x36: {  	p1 =	seq.s32 s10, $0x1;
	s10 =	sld [smem:$0x3FA6];
	_ =	sdelay $0x3  }
0x37: {  	[smem:$0x3FA6] =	sst s10  }
0x38: {  	s10 =	sld [smem:$0x3FA7]  }
0x39: {  	_ = 	snop;
	(pc) =	sbr.ind lr, $3  }
0x3a: {  	_ = 	snop  }
0x3b: {  	_ = 	snop  }
0x3c: {  	p2 =	seq.s32 s10, $0x1;
	s10 =	sld [smem:$0x3FA6]  }
0x3d: {  	_ =	shalt  }
0x3e: {  	_ =	shalt  }
0x3f: {  	_ =	shalt  }
0x40: {  	_ =	shalt  }
0x41: {  	_ =	shalt  }
0x42: {  	_ =	shalt  }
0x43: {  	_ =	shalt  }
0x44: {  	_ =	shalt  }
0x45: {  	_ =	shalt  }
0x46: {  	_ =	shalt  }
0x47: {  	_ =	shalt  }
0x48: {  	_ =	shalt  }
0x49: {  	_ =	shalt  }
0x4a: {  	_ =	shalt  }
0x4b: {  	_ =	shalt  }
0x4c: {  	_ =	shalt  }
0x4d: {  	_ =	shalt  }
0x4e: {  	_ =	shalt  }
0x4f: {  	_ =	shalt  }
0x50: {  	_ =	shalt  }
0x51: {  	_ =	shalt  }
0x52: {  	_ =	shalt  }
0x53: {  	_ =	shalt  }
0x54: {  	_ =	shalt  }
0x55: {  	_ =	shalt  }
0x56: {  	_ =	shalt  }
0x57: {  	_ =	shalt  }
0x58: {  	_ =	shalt  }
0x59: {  	_ =	shalt  }
0x5a: {  	_ =	shalt  }
0x5b: {  	_ =	shalt  }
0x5c: {  	_ =	shalt  }
0x5d: {  	_ =	shalt  }
0x5e: {  	_ =	shalt  }
0x5f: {  	_ =	shalt  }
0x60: {  	_ =	shalt  }
0x61: {  	_ =	shalt  }
0x62: {  	_ =	shalt  }
0x63: {  	_ =	shalt  }
0x64: {  	_ =	shalt  }
0x65: {  	_ =	shalt  }
0x66: {  	_ =	shalt  }
0x67: {  	_ =	shalt  }
0x68: {  	_ =	shalt  }
0x69: {  	_ =	shalt  }
0x6a: {  	_ =	shalt  }
0x6b: {  	_ =	shalt  }
0x6c: {  	_ =	shalt  }
0x6d: {  	_ =	shalt  }
0x6e: {  	_ =	shalt  }
0x6f: {  	_ =	shalt  }
0x70: {  	_ =	shalt  }
0x71: {  	_ =	shalt  }
0x72: {  	_ =	shalt  }
0x73: {  	_ =	shalt  }
0x74: {  	_ =	shalt  }
0x75: {  	_ =	shalt  }
0x76: {  	_ =	shalt  }
0x77: {  	_ =	shalt  }
0x78: {  	_ =	shalt  }
0x79: {  	_ =	shalt  }
0x7a: {  	_ =	shalt  }
0x7b: {  	_ =	shalt  }
0x7c: {  	_ =	shalt  }
0x7d: {  	_ =	shalt  }
0x7e: {  	_ =	shalt  }
0x7f: {  	_ =	shalt  }
0x80: {  	_ =	shalt  }
0x81: {  	_ =	shalt  }
0x82: {  	_ =	shalt  }
0x83: {  	_ =	shalt  }
0x84: {  	_ =	shalt  }
0x85: {  	_ =	shalt  }
0x86: {  	_ =	shalt  }
0x87: {  	_ =	shalt  }
.Lfunc_end0:
.L_simem_size_0:
called_computation.2_lowered:
.L_overlay_start_0:
0x88: {  	s2 =	sld [smem:$0x3FD9]  }
0x89: {  	s3 =	sld [smem:$0x3FFE];
	_ =	sdelay $0x1  }
0x8a: {  	s1 =	srdreg.scid  }
0x8b: {  	s0 =	sand.u32 $0x1, s1  }
0x8c: {  	s16 =	sshll.u32 s0, $0xA;
	s2 =	sadd.s32 s3, s2  }
0x8d: {  	s2 =	sadd.s32 s2, s16  }
0x8e: {  	[smem:$0x3FB2] =	sst s2  }
0x8f: {  	_ = 	snop  }
0x90: {  	(tm) =	ssettm $0x1  }
0x91: {  	s17 =	sld [smem:$0x3FFB];
	_ =	sdelay $0x3  }
0x92: {  	_ =	strace s17  }
0x93: {  	s2 =	sld [smem:$0x3FFC];
	_ =	sdelay $0x3  }
0x94: {  	_ =	strace s2  }
0x95: {  	s2 =	sld [smem:$0x3FFD];
	_ =	sdelay $0x3  }
0x96: {  	_ =	strace s2  }
0x97: {  	_ =	strace $0x8FFFFFFF  }
0x98: {  	s18 =	sld [smem:$0x3FDB];
	_ =	sdelay $0x1  }
0x99: {  	s19 =	simm.s32 $_scs_section_size  }
0x9a: {  	s4 =	simm.s32 $_size__tile_overlayer_lowered;
	s5 =	simm.s32 $_tile_overlayer_lowered  }
0x9b: {  	s22 =	simm.s32 $0x1BFF;
	s21 =	sshll.u32 s5, $0x1;
	s2 =	sadd.s32 s19, s18  }
0x9c: {  	s6 =	simm.s32 $0x0;
	s20 =	sshll.u32 s4, $0x1;
	s4 =	sadd.s32 s21, s2  }
0x9d: {  	[timem:s6], [sflag:s22] =	dma.local [hbm:s4], s20  }
0x9e: {  	_ =	swait.ge [sflag:s22], s20  }
0x9f: {  	s3 =	ssub.s32 $0x0, s20;
	[sflag:s22] =	ssyncset.done $0x0  }
0xa0: {  	[sflag:s22] =	ssyncadd.s32 s3;
	_ =	sdelay $0x1  }
0xa1: {  	s23 =	simm.s32 $0x1B8B  }
0xa2: {  	_ =	swait.ge [sflag:s23], $0x1  }
0xa3: {  	[sflag:s23] =	ssyncset.done $0x0  }
0xa4: {  	s25 =	simm.s32 $0x1B8E;
	s24 =	sld [smem:$0x3FFE];
	[sflag:s23] =	ssyncadd.s32 $0xFFFFFFFF  }
0xa5: {  	s26 =	simm.s32 $execute0_lowered;
	[smem:$0x3FD2] =	sst s25  }
0xa6: {  	s4 =	sshll.u32 s26, $0x1;
	_ =	strace $0x8000004C;
	[dreg:$0x1] =	wrdreg $0xFFFFFFFF  }
0xa7: {  	s28 =	simm.s32 $_size_execute0_lowered;
	s2 =	sadd.s32 s2, s4;
	[dreg:$0x0] =	wrdreg $0x0  }
0xa8: {  	s4 =	sshll.u32 s28, $0x1;
	[dreg:$0x2] =	wrdreg s2  }
0xa9: {  	[dreg:$0x3] =	wrdreg s4  }
0xaa: {  	[dreg:$0x4] =	wrdreg $0xC0  }
0xab: {  	_ =	task [dreg:s6], $0x5FFFF  }
0xac: {  	[dreg:$0x1] =	wrdreg $0xFFFFFFFF  }
0xad: {  	[dreg:$0x0] =	wrdreg $0x60  }
0xae: {  	[dreg:$0x2] =	wrdreg s24  }
0xaf: {  	[dreg:$0x3] =	wrdreg $0x9  }
0xb0: {  	_ =	task.clear_ibuf [dreg:s6], $0x4FFFF;
	_ =	strace $0x9000004C  }
0xb1: {  	s29 =	simm.s32 $0x9;
	_ =	strace $0x8000004E  }
0xb2: {  	_ =	swait.ge [sflag:s29], $0x1  }
0xb3: {  	[sflag:s29] =	ssyncadd.s32 $0xFFFFFFFF  }
0xb4: {  	_ =	strace $0x9000004E  }
0xb5: {  	_ =	sfence  }
0xb6: {  	s30 =	sld [smem:$0x0];
	_ =	sdelay $0x2  }
0xb7: {  	s31 =	sshll.u32 s1, $0xD;
	s1 =	sshrl.u32 s1, $0x2  }
0xb8: {  	s3 =	sand.u32 $0x4000, s31;
	s1 =	sadd.s32 s1, s30  }
0xb9: {  	s0 =	sor.u32 s3, s0;
	s1 =	sshll.u32 s1, $0x11  }
0xba: {  	s0 =	sor.u32 s1, s0  }
0xbb: {  	s0 =	sadd.s32 $0x8F2B, s0  }
0xbc: {  	[sflag:s0] =	ssyncadd.remote.s32 $0x1  }
0xbd: {  	_ =	sfence.sel $0xFFFF  }
0xbe: {  	[dreg:$0x0] =	wrdreg $0xFFFFFFFF;
	(pc) =	sbr.abs _section_cstart, $3  }
0xbf: {  	[dreg:$0x1] =	wrdreg $0xFFFFFFFF  }
0xc0: {  	_ =	task.clear_ibuf [dreg:s6], $0x2FFFF;
	_ =	strace $0x9FFFFFFF  }
0xc1: {  	(tm) =	ssettm $0x7FFFFFFF  }
tec
execute0_lowered:
.L_overlay_start_1:
0x0: {  	(tag) =	ssettag $0x1  }
0x1: {  	s1 =	srdreg.scid  }
0x2: {  	s0 =	stileid.u32;
	s4 =	rddreg [dreg:$0x0]  }
0x3: {  	s2 =	simm.s32 $0x0;
	s16 =	simm.s32 $0x5400;
	s17 =	simm.s32 $0x100  }
0x4: {  	s18 =	simm.s32 $0x9400;
	s19 =	simm.s32 $0x1;
	s20 =	simm.s32 $0xD400  }
0x5: {  	s21 =	simm.s32 $0x2;
	s22 =	simm.s32 $0x3;
	s11 =	smul.u32 $0x140000, s0  }
0x6: {  	s23 =	simm.s32 $0x4;
	s10 =	sand.u32 $0x1, s1;
	s30 =	smul.u32 $0x28000, s0  }
0x7: {  	s24 =	sshll.u32 s0, $0x1;
	s1 =	rddreg [dreg:$0x1];
	s13 =	smul.u32 $0xA0000, s10  }
0x8: {  	[smem:$0x7FF] =	sst s2;
	s5 =	sor.u32 s10, s24;
	s15 =	smul.u32 $0x14000, s10  }
0x9: {  	s12 =	sadd.s32 $0xEC00, s4;
	s7 =	ssub.s32 $0x2, s10;
	s3 =	smul.u32 $0x1400, s5  }
0xa: {  	_ =	strace $0x8000004D;
	s25 =	sshrl.u32 s7, $0x1;
	s8 =	smul.u32 $0xA0000, s5  }
0xb: {  	s24 =	simm.s32 $0x1380;
	s26 =	smul.u32 $0x14000, s5;
	s7 =	ssub.s32 s7, s25  }
0xc: {  	s11 =	sadd.s32 s13, s11;
	s13 =	sadd.s32 s30, s12;
	s25 =	simm.s32 $0x0  }
0xd: {  	s6 =	sshrl.u32 s3, $0x3;
	s3 =	sadd.s32 $0x2BD600, s4;
	s5 =	smax.u32 s7, $0x1  }
0xe: {  	s28 =	sshrl.u32 s8, $0x3;
	s29 =	sadd.s32 s12, s26;
	s14 =	sshrl.u32 s11, $0x3  }
0xf: {  	s11 =	sor.u32 $0xC000, s11;
	s6 =	sadd.s32 s6, s4;
	s9 =	sadd.s32 s12, s28  }
0x10: {  	s7 =	sadd.s32 $0x12800, s29;
	s8 =	sadd.s32 $0x13000, s29;
	s10 =	sadd.s32 s14, s12  }
0x11: {  	s31 =	sshrl.u32 s11, $0x3;
	s11 =	sadd.s32 s15, s13;
	s13 =	simm.s32 $0x5  }
0x12: {  	s14 =	simm.s32 $0x80;
	s15 =	simm.s32 $0x1400;
	s4 =	sadd.s32 $0x9C00, s6  }
0x13: {  	s6 =	sadd.s32 $0x12000, s9;
	s9 =	sadd.s32 $0x13800, s9;
	s12 =	sadd.s32 s31, s12  }
.LBB2_1:
0x14: {  	[tilespmem:s2], [sflag:$0x5] =	stream.linear.gather [hbm4b:s4+s2], $0x1400, $0x38;
	[tilespmem:$0x11400] =	vst v63  }
0x15: {  	_ =	swait.ge [sflag:s13], $0x1400  }
0x16: {  	[sflag:s13] =	ssyncset.done $0x0  }
0x17: {  	[sflag:s13] =	ssyncadd.s32 $0xFFFFEC00  }
0x18: {  	[tilespmem:s15], [sflag:$0x1] =	stream.indirect.gather [hbm4b:s3+s14], $0x80, s2, s14, $0xb8;
	[tilespmem:$0x11400] =	vst v63  }
0x19: {  	_ = 	snop  }
0x1a: {  	[tilespmem:s16], [sflag:$0x2] =	stream.indirect.gather [hbm4b:s3+s14], $0x80, s14, s14, $0xb8;
	[tilespmem:$0x11400] =	vst v63  }
0x1b: {  	_ = 	snop  }
0x1c: {  	[tilespmem:s18], [sflag:$0x3] =	stream.indirect.gather [hbm4b:s3+s14], $0x80, s17, s14, $0xb8;
	[tilespmem:$0x11400] =	vst v63  }
0x1d: {  	_ =	swait.ge [sflag:s19], $0x4000  }
0x1e: {  	[sflag:s19] =	ssyncset.done $0x0  }
0x1f: {  	s26 =	sadd.s32 $0x0, s10;
	[sflag:s19] =	ssyncadd.s32 $0xFFFFC000  }
0x20: {  	[hbm4b:s26+s2] =	stream.linear.scatter [tilespmem:s15], [sflag:$0x5], $0x4000, $0x38;
	[tilespmem:$0x11400] =	vst v63  }
0x21: {  	_ =	swait.ge [sflag:s13], $0x4000  }
0x22: {  	[sflag:s13] =	ssyncset.done $0x0  }
0x23: {  	s30 =	simm.s32 $0x180;
	[sflag:s13] =	ssyncadd.s32 $0xFFFFC000  }
0x24: {  	[tilespmem:s20], [sflag:$0x4] =	stream.indirect.gather [hbm4b:s3+s14], $0x80, s30, s14, $0xb8;
	[tilespmem:$0x11400] =	vst v63  }
0x25: {  	_ =	swait.ge [sflag:s21], $0x4000  }
0x26: {  	s31 =	sadd.s32 $0x0, s11;
	[sflag:s21] =	ssyncset.done $0x0  }
0x27: {  	s28 =	sadd.s32 $0x800, s31;
	[sflag:s21] =	ssyncadd.s32 $0xFFFFC000  }
0x28: {  	[hbm4b:s28+s2] =	stream.linear.scatter [tilespmem:s16], [sflag:$0x5], $0x4000, $0x38;
	[tilespmem:$0x11400] =	vst v63  }
0x29: {  	_ =	swait.ge [sflag:s13], $0x4000  }
0x2a: {  	[sflag:s13] =	ssyncset.done $0x0  }
0x2b: {  	s28 =	simm.s32 $0x200;
	[sflag:s13] =	ssyncadd.s32 $0xFFFFC000  }
0x2c: {  	[tilespmem:s15], [sflag:$0x1] =	stream.indirect.gather [hbm4b:s3+s14], $0x80, s28, s14, $0xb8;
	[tilespmem:$0x11400] =	vst v63  }
0x2d: {  	_ =	swait.ge [sflag:s22], $0x4000  }
0x2e: {  	[sflag:s22] =	ssyncset.done $0x0  }
0x2f: {  	s26 =	sadd.s32 $0x1000, s31;
	[sflag:s22] =	ssyncadd.s32 $0xFFFFC000  }
0x30: {  	[hbm4b:s26+s2] =	stream.linear.scatter [tilespmem:s18], [sflag:$0x5], $0x4000, $0x38;
	[tilespmem:$0x11400] =	vst v63  }
0x31: {  	_ =	swait.ge [sflag:s13], $0x4000  }
0x32: {  	[sflag:s13] =	ssyncset.done $0x0  }
0x33: {  	s30 =	simm.s32 $0x280;
	[sflag:s13] =	ssyncadd.s32 $0xFFFFC000  }
0x34: {  	[tilespmem:s16], [sflag:$0x2] =	stream.indirect.gather [hbm4b:s3+s14], $0x80, s30, s14, $0xb8;
	[tilespmem:$0x11400] =	vst v63  }
0x35: {  	_ =	swait.ge [sflag:s23], $0x4000  }
0x36: {  	[sflag:s23] =	ssyncset.done $0x0  }
0x37: {  	s31 =	sadd.s32 $0x0, s12;
	[sflag:s23] =	ssyncadd.s32 $0xFFFFC000  }
0x38: {  	[hbm4b:s31+s2] =	stream.linear.scatter [tilespmem:s20], [sflag:$0x5], $0x4000, $0x38;
	[tilespmem:$0x11400] =	vst v63  }
0x39: {  	_ =	swait.ge [sflag:s13], $0x4000  }
0x3a: {  	s29 =	simm.s32 $0x300;
	[sflag:s13] =	ssyncset.done $0x0  }
0x3b: {  	s28 =	simm.s32 $0x380;
	s26 =	simm.s32 $0x2000;
	[sflag:s13] =	ssyncadd.s32 $0xFFFFC000  }
.LBB2_2:
0x3c: {  	[tilespmem:s18], [sflag:$0x3] =	stream.indirect.gather [hbm4b:s3+s14], $0x80, s29, s14, $0xb8;
	[tilespmem:$0x11400] =	vst v63  }
0x3d: {  	s29 =	smov.u32 s26  }
0x3e: {  	p0 =	sne.s32 s26, $0x10000;
	s26 =	sadd.s32 $0x2000, s26;
	_ =	swait.ge [sflag:s19], $0x4000  }
0x3f: {  	[sflag:s19] =	ssyncset.done $0x0  }
0x40: {  	s30 =	sadd.s32 s29, s10;
	[sflag:s19] =	ssyncadd.s32 $0xFFFFC000  }
0x41: {  	[hbm4b:s30+s2] =	stream.linear.scatter [tilespmem:s15], [sflag:$0x5], $0x4000, $0x38;
	[tilespmem:$0x11400] =	vst v63  }
0x42: {  	_ =	swait.ge [sflag:s13], $0x4000  }
0x43: {  	[sflag:s13] =	ssyncset.done $0x0  }
0x44: {  	[sflag:s13] =	ssyncadd.s32 $0xFFFFC000  }
0x45: {  	[tilespmem:s20], [sflag:$0x4] =	stream.indirect.gather [hbm4b:s3+s14], $0x80, s28, s14, $0xb8;
	[tilespmem:$0x11400] =	vst v63  }
0x46: {  	_ =	swait.ge [sflag:s21], $0x4000  }
0x47: {  	s30 =	sadd.s32 s29, s11;
	[sflag:s21] =	ssyncset.done $0x0  }
0x48: {  	s31 =	sadd.s32 $0x800, s30;
	[sflag:s21] =	ssyncadd.s32 $0xFFFFC000  }
0x49: {  	[hbm4b:s31+s2] =	stream.linear.scatter [tilespmem:s16], [sflag:$0x5], $0x4000, $0x38;
	[tilespmem:$0x11400] =	vst v63  }
0x4a: {  	_ =	swait.ge [sflag:s13], $0x4000  }
0x4b: {  	[sflag:s13] =	ssyncset.done $0x0  }
0x4c: {  	s31 =	sadd.s32 $0x80, s28;
	[sflag:s13] =	ssyncadd.s32 $0xFFFFC000  }
0x4d: {  	[tilespmem:s15], [sflag:$0x1] =	stream.indirect.gather [hbm4b:s3+s14], $0x80, s31, s14, $0xb8;
	[tilespmem:$0x11400] =	vst v63  }
0x4e: {  	_ =	swait.ge [sflag:s22], $0x4000  }
0x4f: {  	[sflag:s22] =	ssyncset.done $0x0  }
0x50: {  	s30 =	sadd.s32 $0x1000, s30;
	[sflag:s22] =	ssyncadd.s32 $0xFFFFC000  }
0x51: {  	[hbm4b:s30+s2] =	stream.linear.scatter [tilespmem:s18], [sflag:$0x5], $0x4000, $0x38;
	[tilespmem:$0x11400] =	vst v63  }
0x52: {  	_ =	swait.ge [sflag:s13], $0x4000  }
0x53: {  	[sflag:s13] =	ssyncset.done $0x0  }
0x54: {  	s30 =	sadd.s32 $0x100, s28;
	[sflag:s13] =	ssyncadd.s32 $0xFFFFC000  }
0x55: {  	[tilespmem:s16], [sflag:$0x2] =	stream.indirect.gather [hbm4b:s3+s14], $0x80, s30, s14, $0xb8;
	[tilespmem:$0x11400] =	vst v63  }
0x56: {  	_ =	swait.ge [sflag:s23], $0x4000  }
0x57: {  	[sflag:s23] =	ssyncset.done $0x0  }
.Ltmp0:
0x58: {  	s29 =	sadd.s32 s29, s12;
	[sflag:s23] =	ssyncadd.s32 $0xFFFFC000;
	(pc) =	sbr.rel @p0 .LBB2_2-.Ltmp0, $4  }
0x59: {  	[hbm4b:s29+s2] =	stream.linear.scatter [tilespmem:s20], [sflag:$0x5], $0x4000, $0x38;
	[tilespmem:$0x11400] =	vst v63  }
0x5a: {  	_ =	swait.ge [sflag:s13], $0x4000  }
0x5b: {  	[sflag:s13] =	ssyncset.done $0x0  }
0x5c: {  	s29 =	sadd.s32 $0x180, s28;
	s28 =	sadd.s32 $0x200, s28;
	[sflag:s13] =	ssyncadd.s32 $0xFFFFC000  }
0x5d: {  	[tilespmem:s18], [sflag:$0x3] =	stream.indirect.gather [hbm4b:s3+s14], $0x80, s29, s14, $0xb8;
	[tilespmem:$0x11400] =	vst v63  }
0x5e: {  	_ =	swait.ge [sflag:s19], $0x4000  }
0x5f: {  	[sflag:s19] =	ssyncset.done $0x0  }
0x60: {  	[sflag:s19] =	ssyncadd.s32 $0xFFFFC000  }
0x61: {  	[hbm4b:s6+s2] =	stream.linear.scatter [tilespmem:s15], [sflag:$0x5], $0x4000, $0x38;
	[tilespmem:$0x11400] =	vst v63  }
0x62: {  	_ =	swait.ge [sflag:s13], $0x4000  }
0x63: {  	[sflag:s13] =	ssyncset.done $0x0  }
0x64: {  	[sflag:s13] =	ssyncadd.s32 $0xFFFFC000  }
0x65: {  	[tilespmem:s20], [sflag:$0x4] =	stream.indirect.gather [hbm4b:s3+s14], $0x80, s24, s14, $0xb8;
	[tilespmem:$0x11400] =	vst v63  }
0x66: {  	_ =	swait.ge [sflag:s21], $0x4000  }
0x67: {  	[sflag:s21] =	ssyncset.done $0x0  }
0x68: {  	[sflag:s21] =	ssyncadd.s32 $0xFFFFC000  }
0x69: {  	[hbm4b:s7+s2] =	stream.linear.scatter [tilespmem:s16], [sflag:$0x5], $0x4000, $0x38;
	[tilespmem:$0x11400] =	vst v63  }
0x6a: {  	_ =	swait.ge [sflag:s13], $0x4000  }
0x6b: {  	[sflag:s13] =	ssyncset.done $0x0  }
0x6c: {  	[sflag:s13] =	ssyncadd.s32 $0xFFFFC000  }
0x6d: {  	_ =	swait.ge [sflag:s22], $0x4000  }
0x6e: {  	[sflag:s22] =	ssyncset.done $0x0  }
0x6f: {  	[sflag:s22] =	ssyncadd.s32 $0xFFFFC000  }
0x70: {  	[hbm4b:s8+s2] =	stream.linear.scatter [tilespmem:s18], [sflag:$0x5], $0x4000, $0x38;
	[tilespmem:$0x11400] =	vst v63  }
0x71: {  	_ =	swait.ge [sflag:s13], $0x4000  }
0x72: {  	[sflag:s13] =	ssyncset.done $0x0  }
0x73: {  	[sflag:s13] =	ssyncadd.s32 $0xFFFFC000  }
0x74: {  	s25 =	sadd.s32 $0x1, s25;
	_ =	swait.ge [sflag:s23], $0x4000  }
0x75: {  	p0 =	sne.s32 s25, s5;
	[sflag:s23] =	ssyncset.done $0x0  }
.Ltmp1:
0x76: {  	[sflag:s23] =	ssyncadd.s32 $0xFFFFC000;
	(pc) =	sbr.rel @p0 .LBB2_1-.Ltmp1, $4  }
0x77: {  	[hbm4b:s9+s2] =	stream.linear.scatter [tilespmem:s20], [sflag:$0x5], $0x4000, $0x38;
	[tilespmem:$0x11400] =	vst v63  }
0x78: {  	_ =	swait.ge [sflag:s13], $0x4000  }
0x79: {  	[sflag:s13] =	ssyncset.done $0x0  }
0x7a: {  	[sflag:s13] =	ssyncadd.s32 $0xFFFFC000  }
0x7b: {  	_ =	sfence.sel $0x180000  }
0x7c: {  	[bflag:$0x0] =	sbarrier.arrive $0xFFFF  }
0x7d: {  	p0 =	sne.s32 s0, $0x0;
	_ =	strace $0x9000004D  }
0x7e: {  	s0 =	sadd.s32 @!p0 $0x100000, s1;
	[bflag:$0x2] =	sbarrier.arrive $0xFFFF  }
0x7f: {  	[sflag:s0] =	ssyncadd.tile.s32 @!p0 $0x1;
	_ =	shalt  }
.Lfunc_end2:
_tile_overlayer_lowered:
.L_overlay_start_2:
0x80: {  	(tag) =	ssettag $0x2  }
0x81: {  	s0 =	rddreg [dreg:$0x0];
	s2 =	stileid.u32  }
0x82: {  	s1 =	rddreg [dreg:$0x1];
	p0 =	sne.s32 s2, $0x0  }
0x83: {  	s3 =	rddreg [dreg:$0x2];
	[bflag:$0x3] =	sbarrier.arrive $0xFFFF;
	s2 =	simm.s32 @!p0 $0x1C05  }
0x84: {  	[timem:s3], [sflag:s2] =	dma.local @!p0 [hbm:s0], s1  }
0x85: {  	s0 =	simm.s32 @!p0 $0x5  }
0x86: {  	_ =	swait.ge @!p0 [sflag:s0], s1  }
0x87: {  	s1 =	ssub.s32 @!p0 $0x0, s1;
	[sflag:s0] =	ssyncset.done @!p0 $0x0  }
0x88: {  	[sflag:s0] =	ssyncadd.s32 @!p0 s1  }
0x89: {  	[bflag:$0x3] =	sbarrier.arrive $0xFFFF  }
0x8a: {  	_ =	shalt  }

// kernel: kernel.20.cloned.1.call-start
scs
__scs_entry_jumppad:
0x0: {  	(pc) =	sbr.rel $0x88, $3  }
0x1: {  	(tag) =	ssettag $0x0;
	lr =	simm.s32 $0x1  }
0x2: {  	[smem:$0x3F8B] =	sst lr;
	_ =	strace $0xD0000000  }
0x3: {  	_ = 	snop  }
0x4: {  	_ = 	snop  }
0x5: {  	_ = 	snop  }
0x6: {  	_ = 	snop  }
0x7: {  	_ = 	snop  }
__scs_overlays_trampoline_lowered:
0x8: {  	[smem:$0x3F9A] =	sst s0  }
0x9: {  	[smem:$0x3F9B] =	sst s1  }
0xa: {  	[smem:$0x3F9C] =	sst s2  }
0xb: {  	[smem:$0x3F9D] =	sst s3  }
0xc: {  	[smem:$0x3F9E] =	sst s4  }
0xd: {  	[smem:$0x3F9F] =	sst s5  }
0xe: {  	[smem:$0x3FA0] =	sst s6  }
0xf: {  	[smem:$0x3FA1] =	sst s7  }
0x10: {  	[smem:$0x3FA2] =	sst s8  }
0x11: {  	[smem:$0x3FA3] =	sst s9;
	s0 =	simm.s32 @!p0 $0x0  }
0x12: {  	s1 =	sld [smem:$0x3F89];
	s0 =	simm.s32 @p0 $0x1  }
0x13: {  	[smem:$0x3FA4] =	sst s0;
	s0 =	simm.s32 @!p1 $0x0  }
0x14: {  	s2 =	sld [smem:$0x3F88];
	s0 =	simm.s32 @p1 $0x1  }
0x15: {  	[smem:$0x3FA5] =	sst s0;
	s0 =	simm.s32 @!p2 $0x0  }
0x16: {  	s3 =	sld [smem:$0x3FDB];
	s0 =	simm.s32 @p2 $0x1  }
0x17: {  	s4 =	simm.s32 $0x1BF5;
	[smem:$0x3FA7] =	sst s0  }
0x18: {  	s0 =	sld [smem:$0x3F8A];
	_ =	swait.ge [sflag:s4], $0x0  }
0x19: {  	s7 =	sld [smem:$0x3F8B]  }
0x1a: {  	s8 =	sadd.s32 $0xFFFFE003, lr  }
0x1b: {  	s9 =	sadd.s32 $0xFFFFFEF7, lr;
	s5 =	simm.s32 $0xFFFFFFFF;
	p2 =	slt.u32 s8, $0xFFFFF086  }
0x1c: {  	p1 =	slt.u32 s9, $0xF7A;
	s5 =	simm.s32 @!p2 $0x0  }
0x1d: {  	s5 =	simm.s32 @p1 $0x1;
	p0 =	seq.s32 s7, s2  }
0x1e: {  	s7 =	smul.u32 @!p0 $0xF7A, s2;
	p2 =	seq.s32 @!p0 s5, $0x0  }
0x1f: {  	s9 =	smul.u32 $0xF7A, s1;
	s8 =	simm.s32 @!p0 $0x1BF5;
	p2 =	por !p2, p0  }
0x20: {  	[sflag:s8] =	ssyncset.s32 @!p0 $0xFFFFF086;
	s6 =	sadd.s32 @!p0 s3, s7;
	s7 =	simm.s32 @!p0 $0x108  }
0x21: {  	s3 =	sadd.s32 s3, s9;
	s6 =	sadd.s32 @!p0 $0x88, s6;
	s7 =	simm.s32 @p2 $0x1082  }
0x22: {  	[simem:s7], [sflag:s8] =	dma.local @!p0 [hbm:s6], $0xF7A  }
0x23: {  	s9 =	sor.u32 $0xD0000000, s2;
	s6 =	simm.s32 $0x108;
	_ =	swait.ge @!p0 [sflag:s8], $0x0  }
0x24: {  	s3 =	sadd.s32 $0x88, s3;
	s6 =	simm.s32 @!p1 $0x1082;
	[sflag:s4] =	ssyncset.s32 $0xFFFFF086  }
0x25: {  	[simem:s6], [sflag:s4] =	dma.local [hbm:s3], $0xF7A  }
0x26: {  	[smem:$0x3F8B] =	sst s1;
	(tag) =	ssettag s2;
	_ =	strace s9  }
0x27: {  	s1 =	sld [smem:$0x3F9B]  }
0x28: {  	s2 =	sld [smem:$0x3F9C]  }
0x29: {  	s4 =	sld [smem:$0x3F9E]  }
0x2a: {  	p0 =	seq.s32 s5, $0x0;
	s5 =	sld [smem:$0x3F9F]  }
0x2b: {  	s6 =	sld [smem:$0x3FA0]  }
0x2c: {  	s7 =	sld [smem:$0x3FA1]  }
0x2d: {  	s3 =	simm.s32 $0x108;
	s8 =	sld [smem:$0x3FA2]  }
0x2e: {  	s3 =	simm.s32 @!p0 $0x1082;
	s9 =	sld [smem:$0x3FA3]  }
0x2f: {  	lr =	sadd.s32 s0, s3;
	s0 =	sld [smem:$0x3F9A]  }
0x30: {  	s3 =	sld [smem:$0x3F9D]  }
0x31: {  	[smem:$0x3FA6] =	sst s10  }
0x32: {  	s10 =	sld [smem:$0x3FA4];
	_ =	sdelay $0x3  }
0x33: {  	p0 =	seq.s32 s10, $0x1;
	s10 =	sld [smem:$0x3FA6];
	_ =	sdelay $0x3  }
0x34: {  	[smem:$0x3FA6] =	sst s10  }
0x35: {  	s10 =	sld [smem:$0x3FA5];
	_ =	sdelay $0x3  }
0x36: {  	p1 =	seq.s32 s10, $0x1;
	s10 =	sld [smem:$0x3FA6];
	_ =	sdelay $0x3  }
0x37: {  	[smem:$0x3FA6] =	sst s10  }
0x38: {  	s10 =	sld [smem:$0x3FA7]  }
0x39: {  	_ = 	snop;
	(pc) =	sbr.ind lr, $3  }
0x3a: {  	_ = 	snop  }
0x3b: {  	_ = 	snop  }
0x3c: {  	p2 =	seq.s32 s10, $0x1;
	s10 =	sld [smem:$0x3FA6]  }
0x3d: {  	_ =	shalt  }
0x3e: {  	_ =	shalt  }
0x3f: {  	_ =	shalt  }
0x40: {  	_ =	shalt  }
0x41: {  	_ =	shalt  }
0x42: {  	_ =	shalt  }
0x43: {  	_ =	shalt  }
0x44: {  	_ =	shalt  }
0x45: {  	_ =	shalt  }
0x46: {  	_ =	shalt  }
0x47: {  	_ =	shalt  }
0x48: {  	_ =	shalt  }
0x49: {  	_ =	shalt  }
0x4a: {  	_ =	shalt  }
0x4b: {  	_ =	shalt  }
0x4c: {  	_ =	shalt  }
0x4d: {  	_ =	shalt  }
0x4e: {  	_ =	shalt  }
0x4f: {  	_ =	shalt  }
0x50: {  	_ =	shalt  }
0x51: {  	_ =	shalt  }
0x52: {  	_ =	shalt  }
0x53: {  	_ =	shalt  }
0x54: {  	_ =	shalt  }
0x55: {  	_ =	shalt  }
0x56: {  	_ =	shalt  }
0x57: {  	_ =	shalt  }
0x58: {  	_ =	shalt  }
0x59: {  	_ =	shalt  }
0x5a: {  	_ =	shalt  }
0x5b: {  	_ =	shalt  }
0x5c: {  	_ =	shalt  }
0x5d: {  	_ =	shalt  }
0x5e: {  	_ =	shalt  }
0x5f: {  	_ =	shalt  }
0x60: {  	_ =	shalt  }
0x61: {  	_ =	shalt  }
0x62: {  	_ =	shalt  }
0x63: {  	_ =	shalt  }
0x64: {  	_ =	shalt  }
0x65: {  	_ =	shalt  }
0x66: {  	_ =	shalt  }
0x67: {  	_ =	shalt  }
0x68: {  	_ =	shalt  }
0x69: {  	_ =	shalt  }
0x6a: {  	_ =	shalt  }
0x6b: {  	_ =	shalt  }
0x6c: {  	_ =	shalt  }
0x6d: {  	_ =	shalt  }
0x6e: {  	_ =	shalt  }
0x6f: {  	_ =	shalt  }
0x70: {  	_ =	shalt  }
0x71: {  	_ =	shalt  }
0x72: {  	_ =	shalt  }
0x73: {  	_ =	shalt  }
0x74: {  	_ =	shalt  }
0x75: {  	_ =	shalt  }
0x76: {  	_ =	shalt  }
0x77: {  	_ =	shalt  }
0x78: {  	_ =	shalt  }
0x79: {  	_ =	shalt  }
0x7a: {  	_ =	shalt  }
0x7b: {  	_ =	shalt  }
0x7c: {  	_ =	shalt  }
0x7d: {  	_ =	shalt  }
0x7e: {  	_ =	shalt  }
0x7f: {  	_ =	shalt  }
0x80: {  	_ =	shalt  }
0x81: {  	_ =	shalt  }
0x82: {  	_ =	shalt  }
0x83: {  	_ =	shalt  }
0x84: {  	_ =	shalt  }
0x85: {  	_ =	shalt  }
0x86: {  	_ =	shalt  }
0x87: {  	_ =	shalt  }
.Lfunc_end0:
.L_simem_size_0:
called_computation.3_lowered:
.L_overlay_start_0:
0x88: {  	s2 =	sld [smem:$0x3FD9]  }
0x89: {  	s3 =	sld [smem:$0x3FFE];
	_ =	sdelay $0x1  }
0x8a: {  	s1 =	srdreg.scid  }
0x8b: {  	s0 =	sand.u32 $0x1, s1  }
0x8c: {  	s16 =	sshll.u32 s0, $0xA;
	s2 =	sadd.s32 s3, s2  }
0x8d: {  	s2 =	sadd.s32 s2, s16  }
0x8e: {  	[smem:$0x3FB2] =	sst s2  }
0x8f: {  	_ = 	snop  }
0x90: {  	(tm) =	ssettm $0x1  }
0x91: {  	s17 =	sld [smem:$0x3FFB];
	_ =	sdelay $0x3  }
0x92: {  	_ =	strace s17  }
0x93: {  	s2 =	sld [smem:$0x3FFC];
	_ =	sdelay $0x3  }
0x94: {  	_ =	strace s2  }
0x95: {  	s2 =	sld [smem:$0x3FFD];
	_ =	sdelay $0x3  }
0x96: {  	_ =	strace s2  }
0x97: {  	_ =	strace $0x8FFFFFFF  }
0x98: {  	s18 =	sld [smem:$0x3FDB];
	_ =	sdelay $0x1  }
0x99: {  	s19 =	simm.s32 $_scs_section_size  }
0x9a: {  	s4 =	simm.s32 $_size__tile_overlayer_lowered;
	s5 =	simm.s32 $_tile_overlayer_lowered  }
0x9b: {  	s22 =	simm.s32 $0x1BFF;
	s21 =	sshll.u32 s5, $0x1;
	s2 =	sadd.s32 s19, s18  }
0x9c: {  	s6 =	simm.s32 $0x0;
	s20 =	sshll.u32 s4, $0x1;
	s4 =	sadd.s32 s21, s2  }
0x9d: {  	[timem:s6], [sflag:s22] =	dma.local [hbm:s4], s20  }
0x9e: {  	_ =	swait.ge [sflag:s22], s20  }
0x9f: {  	s3 =	ssub.s32 $0x0, s20;
	[sflag:s22] =	ssyncset.done $0x0  }
0xa0: {  	[sflag:s22] =	ssyncadd.s32 s3;
	_ =	sdelay $0x1  }
0xa1: {  	s23 =	simm.s32 $0x1B8B  }
0xa2: {  	_ =	swait.ge [sflag:s23], $0x1  }
0xa3: {  	[sflag:s23] =	ssyncset.done $0x0  }
0xa4: {  	s25 =	simm.s32 $0x1B8E;
	s24 =	sld [smem:$0x3FFE];
	[sflag:s23] =	ssyncadd.s32 $0xFFFFFFFF  }
0xa5: {  	s26 =	simm.s32 $execute0_lowered;
	[smem:$0x3FD2] =	sst s25  }
0xa6: {  	s4 =	sshll.u32 s26, $0x1;
	_ =	strace $0x8000004F;
	[dreg:$0x1] =	wrdreg $0xFFFFFFFF  }
0xa7: {  	s28 =	simm.s32 $_size_execute0_lowered;
	s2 =	sadd.s32 s2, s4;
	[dreg:$0x0] =	wrdreg $0x0  }
0xa8: {  	s4 =	sshll.u32 s28, $0x1;
	[dreg:$0x2] =	wrdreg s2  }
0xa9: {  	[dreg:$0x3] =	wrdreg s4  }
0xaa: {  	[dreg:$0x4] =	wrdreg $0xC0  }
0xab: {  	_ =	task [dreg:s6], $0x5FFFF  }
0xac: {  	[dreg:$0x1] =	wrdreg $0xFFFFFFFF  }
0xad: {  	[dreg:$0x0] =	wrdreg $0x60  }
0xae: {  	[dreg:$0x2] =	wrdreg s24  }
0xaf: {  	[dreg:$0x3] =	wrdreg $0x54000  }
0xb0: {  	[dreg:$0x4] =	wrdreg $0x9  }
0xb1: {  	_ =	task.clear_ibuf [dreg:s6], $0x5FFFF;
	_ =	strace $0x9000004F  }
0xb2: {  	s29 =	simm.s32 $0x9;
	_ =	strace $0x80000051  }
0xb3: {  	_ =	swait.ge [sflag:s29], $0x1  }
0xb4: {  	[sflag:s29] =	ssyncadd.s32 $0xFFFFFFFF  }
0xb5: {  	_ =	strace $0x90000051  }
0xb6: {  	_ =	sfence  }
0xb7: {  	s30 =	sld [smem:$0x0];
	_ =	sdelay $0x2  }
0xb8: {  	s31 =	sshll.u32 s1, $0xD;
	s1 =	sshrl.u32 s1, $0x2  }
0xb9: {  	s3 =	sand.u32 $0x4000, s31;
	s1 =	sadd.s32 s1, s30  }
0xba: {  	s0 =	sor.u32 s3, s0;
	s1 =	sshll.u32 s1, $0x11  }
0xbb: {  	s0 =	sor.u32 s1, s0  }
0xbc: {  	s0 =	sadd.s32 $0x8F2B, s0  }
0xbd: {  	[sflag:s0] =	ssyncadd.remote.s32 $0x1  }
0xbe: {  	_ =	sfence.sel $0xFFFF  }
0xbf: {  	[dreg:$0x0] =	wrdreg $0xFFFFFFFF;
	(pc) =	sbr.abs _section_cstart, $3  }
0xc0: {  	[dreg:$0x1] =	wrdreg $0xFFFFFFFF  }
0xc1: {  	_ =	task.clear_ibuf [dreg:s6], $0x2FFFF;
	_ =	strace $0x9FFFFFFF  }
0xc2: {  	(tm) =	ssettm $0x7FFFFFFF  }
0xc3: {  	_ =	shalt  }
tec
execute0_lowered:
.L_overlay_start_1:
0x0: {  	(tag) =	ssettag $0x1  }
0x1: {  	s4 =	rddreg [dreg:$0x0]  }
0x2: {  	s2 =	rddreg [dreg:$0x1]  }
0x3: {  	s1 =	stileid.u32;
	s3 =	srdreg.scid  }
0x4: {  	s0 =	rddreg [dreg:$0x2];
	s13 =	simm.s32 $0x1;
	s14 =	simm.s32 $0x1400  }
0x5: {  	s15 =	simm.s32 $0x80;
	s18 =	simm.s32 $0x0;
	s5 =	smul.u32 $0x28000, s1  }
0x6: {  	s6 =	sand.u32 $0x1, s3;
	s3 =	simm.s32 $0x0;
	s9 =	smul.u32 $0x14000, s1  }
0x7: {  	s7 =	sshll.u32 s1, $0x1;
	s31 =	smul.u32 $0x50000, s1;
	s16 =	sshll.u32 s1, $0x6  }
0x8: {  	s8 =	smul.u32 $0x140000, s6;
	[smem:$0x7FF] =	sst s3;
	s7 =	sor.u32 s6, s7  }
0x9: {  	s30 =	ssub.s32 $0x2, s6;
	s12 =	smul.u32 $0x14000, s6;
	s16 =	sor.u32 $0x1C01, s16  }
0xa: {  	_ =	strace $0x80000050;
	s11 =	sadd.s32 s5, s4;
	s10 =	sshrl.u32 s30, $0x1  }
0xb: {  	s28 =	smul.u32 $0x280, s7;
	s29 =	sadd.s32 s9, s8;
	s8 =	ssub.s32 s30, s10  }
0xc: {  	s9 =	sshrl.u32 s31, $0x2;
	s12 =	sadd.s32 s12, s11;
	s7 =	sshrl.u32 s29, $0x3  }
0xd: {  	s5 =	sadd.s32 s28, s4;
	s12 =	sadd.s32 $0x7A7C00, s12;
	s7 =	sadd.s32 s7, s4  }
0xe: {  	s4 =	sadd.s32 $0x2B8600, s5;
	s5 =	sadd.s32 s9, s2;
	s6 =	sadd.s32 $0x4C00, s7  }
0xf: {  	s7 =	smax.u32 s8, $0x1;
	s8 =	sadd.s32 $0x4000, s5;
	s9 =	sadd.s32 $0x8000, s5  }
0x10: {  	v0 =	vimm.f32 $0.0e+00;
	s10 =	sadd.s32 $0xC000, s5;
	s11 =	sadd.s32 $0x10000, s5;
	s17 =	sshrl.u32 s5, $0x3  }
.LBB2_1:
0x11: {  	[tilespmem:s3], [sflag:$0x1] =	stream.linear.gather [hbm4b:s4+s3], $0x1400, $0x38;
	[tilespmem:$0x19400] =	vst v63  }
0x12: {  	s19 =	sand.u32 $0xFE00, s3;
	s20 =	sand.u32 $0x70, s3;
	_ =	swait.ge [sflag:s13], $0x1400  }
0x13: {  	s21 =	sshrl.u32 s19, $0x2;
	s19 =	simm.s32 $0x40;
	[sflag:s13] =	ssyncset.done $0x0  }
0x14: {  	s21 =	sor.u32 s20, s21;
	s20 =	simm.s32 $0x0;
	[sflag:s13] =	ssyncadd.s32 $0xFFFFEC00  }
.LBB2_2:
0x15: {  	p0 =	sne.s32 s19, $0xFFC0  }
0x16: {  	[tilespmem:s21+$0x1400] =	vst v0;
	s20 =	sadd.s32 $0x10, s20;
	s21 =	smov.u32 s19;
	s19 =	sadd.s32 $0x40, s19  }
.Ltmp0:
0x17: {  	(pc) =	sbr.rel @p0 .LBB2_2-.Ltmp0, $4  }
0x18: {  	_ = 	snop  }
0x19: {  	s21 =	sand.u32 $0xFE00, s21  }
0x1a: {  	s22 =	sand.u32 $0x70, s20;
	s21 =	sshrl.u32 s21, $0x2  }
0x1b: {  	s21 =	sor.u32 s22, s21  }
0x1c: {  	[tilespmem:s21+$0x1400] =	vst v0  }
0x1d: {  	[spmem:s5] =	stream.linear.scatter [tilespmem:s14], [sflag:$0x1], $0x4000, $0x38;
	[tilespmem:$0x19400] =	vst v63  }
0x1e: {  	_ =	swait.ge [sflag:s13], $0x4000  }
0x1f: {  	[sflag:s13] =	ssyncset.done $0x0  }
0x20: {  	[sflag:s13] =	ssyncadd.s32 $0xFFFFC000  }
0x21: {  	[spmem:s8] =	stream.linear.scatter [tilespmem:s14], [sflag:$0x1], $0x4000, $0x38;
	[tilespmem:$0x19400] =	vst v63  }
0x22: {  	_ =	swait.ge [sflag:s13], $0x4000  }
0x23: {  	[sflag:s13] =	ssyncset.done $0x0  }
0x24: {  	[sflag:s13] =	ssyncadd.s32 $0xFFFFC000  }
0x25: {  	[spmem:s9] =	stream.linear.scatter [tilespmem:s14], [sflag:$0x1], $0x4000, $0x38;
	[tilespmem:$0x19400] =	vst v63  }
0x26: {  	_ =	swait.ge [sflag:s13], $0x4000  }
0x27: {  	[sflag:s13] =	ssyncset.done $0x0  }
0x28: {  	[sflag:s13] =	ssyncadd.s32 $0xFFFFC000  }
0x29: {  	[spmem:s10] =	stream.linear.scatter [tilespmem:s14], [sflag:$0x1], $0x4000, $0x38;
	[tilespmem:$0x19400] =	vst v63  }
0x2a: {  	_ =	swait.ge [sflag:s13], $0x4000  }
0x2b: {  	[sflag:s13] =	ssyncset.done $0x0  }
0x2c: {  	[sflag:s13] =	ssyncadd.s32 $0xFFFFC000  }
0x2d: {  	[spmem:s11] =	stream.linear.scatter [tilespmem:s14], [sflag:$0x1], $0x4000, $0x38;
	[tilespmem:$0x19400] =	vst v63  }
0x2e: {  	_ =	swait.ge [sflag:s13], $0x4000  }
0x2f: {  	[sflag:s13] =	ssyncset.done $0x0  }
0x30: {  	[sflag:s13] =	ssyncadd.s32 $0xFFFFC000  }
0x31: {  	[bflag:$0x0] =	sbarrier.arrive $0xFFFF  }
0x32: {  	[tilespmem:s14], [sflag:$0x1] =	stream.linear.gather [hbm4b:s12+s3], $0x4000, $0x38;
	[tilespmem:$0x19400] =	vst v63  }
0x33: {  	_ =	swait.ge [sflag:s13], $0x4000  }
0x34: {  	[sflag:s13] =	ssyncset.done $0x0  }
0x35: {  	s19 =	simm.s32 $0x0;
	[sflag:s13] =	ssyncadd.s32 $0xFFFFC000  }
0x36: {  	[spmem:s2] =	stream.indirect.scatter.add.f32 [tilespmem:s14], [sflag:$0x1], $0x80, s19, s15, $0xb8;
	[tilespmem:$0x19400] =	vst v63  }
0x37: {  	_ =	swait.ge [sflag:s13], $0x4000  }
0x38: {  	s20 =	smov.u32 s12;
	s19 =	simm.s32 $0x200;
	[sflag:s13] =	ssyncset.done $0x0  }
.LBB2_4:
0x39: {  	p0 =	sne.s32 s19, $0x4E00;
	[sflag:s13] =	ssyncadd.s32 $0xFFFFC000;
	s20 =	sadd.s32 $0x800, s20  }
0x3a: {  	[tilespmem:s14], [sflag:$0x1] =	stream.linear.gather [hbm4b:s20+s3], $0x4000, $0x38;
	[tilespmem:$0x19400] =	vst v63  }
0x3b: {  	s21 =	smov.u32 s19;
	s19 =	sadd.s32 $0x200, s19;
	_ =	swait.ge [sflag:s13], $0x4000  }
.Ltmp1:
0x3c: {  	[sflag:s13] =	ssyncset.done $0x0;
	(pc) =	sbr.rel @p0 .LBB2_4-.Ltmp1, $4  }
0x3d: {  	s21 =	sshra.s32 s21, $0x2;
	[sflag:s13] =	ssyncadd.s32 $0xFFFFC000  }
0x3e: {  	[spmem:s2] =	stream.indirect.scatter.add.f32 [tilespmem:s14], [sflag:$0x1], $0x80, s21, s15, $0xb8;
	[tilespmem:$0x19400] =	vst v63  }
0x3f: {  	_ =	swait.ge [sflag:s13], $0x4000  }
0x40: {  	[sflag:s13] =	ssyncset.done $0x0  }
0x41: {  	s18 =	sadd.s32 $0x1, s18  }
0x42: {  	[sflag:s13] =	ssyncadd.s32 $0xFFFFC000;
	p0 =	sne.s32 s18, s7  }
.Ltmp2:
0x43: {  	[bflag:$0x0] =	sbarrier.arrive $0xFFFF;
	(pc) =	sbr.rel @p0 .LBB2_1-.Ltmp2, $4  }
0x44: {  	[hbm:s6], [sflag:s16] =	dma.local [spmem:s17], $0x2800  }
0x45: {  	_ =	swait.ge [sflag:s13], $0x2800  }
0x46: {  	[sflag:s13] =	ssyncset.done $0x0  }
0x47: {  	[sflag:s13] =	ssyncadd.s32 $0xFFFFD800  }
0x48: {  	_ =	sfence.sel $0x180000  }
0x49: {  	[bflag:$0x0] =	sbarrier.arrive $0xFFFF  }
0x4a: {  	p0 =	sne.s32 s1, $0x0;
	_ =	strace $0x90000050  }
0x4b: {  	s0 =	sadd.s32 @!p0 $0x100000, s0;
	[bflag:$0x2] =	sbarrier.arrive $0xFFFF  }
0x4c: {  	[sflag:s0] =	ssyncadd.tile.s32 @!p0 $0x1;
	_ =	shalt  }
.Lfunc_end2:
_tile_overlayer_lowered:
.L_overlay_start_2:
0x4d: {  	(tag) =	ssettag $0x2  }
0x4e: {  	s0 =	rddreg [dreg:$0x0];
	s2 =	stileid.u32  }
0x4f: {  	s1 =	rddreg [dreg:$0x1];
	p0 =	sne.s32 s2, $0x0  }
0x50: {  	s3 =	rddreg [dreg:$0x2];
	[bflag:$0x3] =	sbarrier.arrive $0xFFFF;
	s2 =	simm.s32 @!p0 $0x1C01  }
0x51: {  	[timem:s3], [sflag:s2] =	dma.local @!p0 [hbm:s0], s1  }
0x52: {  	s0 =	simm.s32 @!p0 $0x1  }
0x53: {  	_ =	swait.ge @!p0 [sflag:s0], s1  }
0x54: {  	s1 =	ssub.s32 @!p0 $0x0, s1;
	[sflag:s0] =	ssyncset.done @!p0 $0x0  }
0x55: {  	[sflag:s0] =	ssyncadd.s32 @!p0 s1  }
0x56: {  	[bflag:$0x3] =	sbarrier.arrive $0xFFFF  }
0x57: {  	_ =	shalt  }

</sc_bundles>
